<compile_context>
chip_gen: v7x
topology: tpu7x:2x2x1
jax: 0.10.2.dev20260603
libtpu: 0.0.44.dev20260713+nightly
codegen_flags: <defaults>
</compile_context>

<pallas_src>
import functools

import jax
import jax.numpy as jnp
from jax import lax
from jax.experimental import pallas as pl
from jax.experimental.pallas import tpu as pltpu
from jax.experimental.pallas import tpu_sc as plsc


def _pos_gather_sc(pos_embed, idx_flat, b, lp, lpad, dm):
    info = plsc.get_sparse_core_info()
    nw = info.num_cores * info.num_subcores
    wpb = nw // b
    chunk = (lp - 1) // wpb
    sub = min(chunk, 64)
    steps = chunk // sub

    mesh = plsc.VectorSubcoreMesh(core_axis_name="c", subcore_axis_name="s")

    @functools.partial(
        pl.kernel,
        mesh=mesh,
        out_type=jax.ShapeDtypeStruct((b, lp, dm), jnp.float32),
        scratch_types=[
            pltpu.VMEM((chunk + 8,), jnp.int32),
            pltpu.VMEM((sub, dm), jnp.float32),
            pltpu.VMEM((1, dm), jnp.float32),
            pltpu.SemaphoreType.DMA,
        ],
    )
    def gather_kernel(table_hbm, idx_hbm, out_hbm, idx_v, rows_v, row1_v, sem):
        wid = lax.axis_index("s") * info.num_cores + lax.axis_index("c")
        bb = wid // wpb
        w = wid % wpb
        base = w * chunk
        last = w == wpb - 1
        pltpu.sync_copy(idx_hbm.at[pl.ds(bb * lpad + base, chunk)],
                        idx_v.at[pl.ds(0, chunk)])

        for h in range(steps):
            off = h * sub
            pltpu.async_copy(
                table_hbm.at[idx_v.at[pl.ds(off, sub)]], rows_v, sem).wait()
            pltpu.sync_copy(rows_v, out_hbm.at[bb, pl.ds(base + off, sub)])

        @pl.when(last)
        def _():
            pltpu.sync_copy(idx_hbm.at[pl.ds(bb * lpad + lp - 1, 1)],
                            idx_v.at[pl.ds(chunk, 1)])
            pltpu.async_copy(table_hbm.at[idx_v.at[pl.ds(chunk, 1)]],
                             row1_v, sem).wait()
            pltpu.sync_copy(row1_v, out_hbm.at[bb, pl.ds(lp - 1, 1)])

    return gather_kernel(pos_embed, idx_flat)


def _encode_tc_body(emb_ref, meta_ref, w_ref, t_ref, g_ref, cls_ref, out_ref,
                    *, blk, d_in, s, dm, b):
    j = pl.program_id(0)
    parts = []
    for bb in range(b):
        metap = meta_ref[bb]
        sid = metap & 15
        mod = (metap >> 4) & 3
        role = (metap >> 6) & 3
        msk = metap >> 8

        emb = emb_ref[bb]
        emb_t = jnp.concatenate([emb] * s, axis=1)
        colex = lax.broadcasted_iota(jnp.int32, (blk, s * d_in), 1) // d_in
        keep = (colex == sid) & (msk != 0)
        x2 = jnp.where(keep, emb_t, jnp.bfloat16(0))
        acc = jnp.dot(x2, w_ref[...], preferred_element_type=jnp.float32)

        cols = lax.broadcasted_iota(jnp.int32, (blk, 2 * s + 8), 1)
        one = jnp.float32(1)
        zero = jnp.float32(0)
        oh = jnp.where(
            cols < s, jnp.where((cols == sid) & (msk != 0), one, zero),
            jnp.where(cols < 2 * s, jnp.where(cols - s == sid, one, zero),
                      jnp.where(cols < 2 * s + 4,
                                jnp.where(cols - 2 * s == mod, one, zero),
                                jnp.where(cols - (2 * s + 4) == role, one, zero))))
        res = acc + jnp.dot(oh, t_ref[...], preferred_element_type=jnp.float32) \
            + g_ref[bb]

        rowi = lax.broadcasted_iota(jnp.int32, (blk, dm), 0)
        is_cls = jnp.logical_and(rowi == 0, j == 0)
        res = jnp.where(is_cls, jnp.broadcast_to(cls_ref[...], (blk, dm)), res)
        parts.append(res)

    chunks = []
    for dh in range(dm // 128):
        for res in parts:
            chunks.append(res[:, dh * 128:(dh + 1) * 128])
    colmix = jnp.concatenate(chunks, axis=1)
    out_ref[...] = colmix.reshape(blk * (dm // 128) * b, 128)


def kernel(emb, pos, sid, mod, role, padding_mask, proj_W, proj_b,
           cls_content, pos_embed, id_embed, mod_embed, role_embed):
    b, l, d_in = emb.shape
    s, _, dm = proj_W.shape
    lp = l + 1
    lpad = lp + 7
    blk = 416
    nbj = pl.cdiv(lp, blk)

    idx_sh = jnp.pad(pos.astype(jnp.int32), ((0, 0), (1, 7))).reshape(b * lpad)
    g2 = _pos_gather_sc(pos_embed, idx_sh, b, lp, lpad, dm)

    w_flat = proj_W.reshape(s * d_in, dm).astype(jnp.bfloat16)
    trows = 2 * s + 8
    t_tab = jnp.concatenate(
        [proj_b, id_embed[:s], mod_embed, role_embed,
         jnp.zeros((trows - 2 * s - mod_embed.shape[0] - role_embed.shape[0], dm),
                   jnp.float32)], axis=0)
    emb_sh = jnp.pad(emb.astype(jnp.bfloat16), ((0, 0), (1, 0), (0, 0)))
    meta_sh = jnp.pad(
        sid + (mod << 4) + (role << 6) + (padding_mask.astype(jnp.int32) << 8),
        ((0, 0), (1, 0)))[..., None]
    cls_row = (cls_content + pos_embed[0] + id_embed[s]).reshape(1, dm)

    tokens = pl.pallas_call(
        functools.partial(_encode_tc_body, blk=blk, d_in=d_in, s=s, dm=dm, b=b),
        grid=(nbj,),
        in_specs=[
            pl.BlockSpec((b, blk, d_in), lambda j: (0, j, 0)),
            pl.BlockSpec((b, blk, 1), lambda j: (0, j, 0)),
            pl.BlockSpec((s * d_in, dm), lambda j: (0, 0)),
            pl.BlockSpec((trows, dm), lambda j: (0, 0)),
            pl.BlockSpec((b, blk, dm), lambda j: (0, j, 0)),
            pl.BlockSpec((1, dm), lambda j: (0, 0)),
        ],
        out_specs=pl.BlockSpec((blk * (dm // 128) * b, 128), lambda j: (j, 0)),
        out_shape=jax.ShapeDtypeStruct((lp * (dm // 128) * b, 128), jnp.float32),
    )(emb_sh, meta_sh, w_flat, t_tab, g2, cls_row)
    tokens = tokens.reshape(lp, dm // 128, b, 128).transpose(2, 0, 1, 3).reshape(b, lp, dm)

    attn_keep = jnp.concatenate(
        [jnp.ones((b, 1), dtype=bool), padding_mask], axis=1)
    return tokens, attn_keep

# --- scband reference (transcript-rebuilt; emitter-appended) ---
"""Pipeline reference for scband-token-encoder-90881507983845 (READ-ONLY COPY).

The authoritative reference and input builder live on the scoring server;
editing this copy changes nothing except your own understanding.
"""

import jax, jax.numpy as jnp
import numpy as np

B = 2
L = 2048
D_IN = 64
D_MODEL = 1024
S = 16          # num_signals (projection 'experts')
M = 4           # num_modalities
MAXP = 2048     # max_positions


def setup_inputs(seed: int = 0) -> dict:
    key = jax.random.key(seed)
    ks = jax.random.split(key, 12)
    emb = jax.random.normal(ks[0], (B, L, D_IN), dtype=jnp.float32)
    pos = jax.random.randint(ks[1], (B, L), 0, MAXP, dtype=jnp.int32)
    sid = jax.random.randint(ks[2], (B, L), 0, S, dtype=jnp.int32)
    mod = jax.random.randint(ks[3], (B, L), 0, M, dtype=jnp.int32)
    role = jax.random.randint(ks[4], (B, L), 0, 3, dtype=jnp.int32)
    padding_mask = jnp.ones((B, L), dtype=bool)
    proj_W = jax.random.normal(ks[5], (S, D_IN, D_MODEL), dtype=jnp.float32) * (1.0 / np.sqrt(D_IN))
    proj_b = jnp.zeros((S, D_MODEL), dtype=jnp.float32)
    cls_content = jax.random.normal(ks[6], (D_MODEL,), dtype=jnp.float32)
    pos_embed = jax.random.normal(ks[7], (MAXP + 1, D_MODEL), dtype=jnp.float32) * 0.02
    id_embed = jax.random.normal(ks[8], (S + 1, D_MODEL), dtype=jnp.float32) * 0.02
    mod_embed = jax.random.normal(ks[9], (M, D_MODEL), dtype=jnp.float32) * 0.02
    role_embed = jax.random.normal(ks[10], (3, D_MODEL), dtype=jnp.float32) * 0.02
    return {
        "emb": emb, "pos": pos, "sid": sid, "mod": mod, "role": role,
        "padding_mask": padding_mask, "proj_W": proj_W, "proj_b": proj_b,
        "cls_content": cls_content, "pos_embed": pos_embed,
        "id_embed": id_embed, "mod_embed": mod_embed, "role_embed": role_embed,
    }


def reference(emb, pos, sid, mod, role, padding_mask, proj_W, proj_b,
              cls_content, pos_embed, id_embed, mod_embed, role_embed):
    B_, L_, _ = emb.shape
    S_, _, dm = proj_W.shape
    # Per-token projection keyed by signal_id (MoE-style expert dispatch).
    # Padded tokens stay zero, matching the torch loop which skips them.
    tok = jnp.zeros((B_, L_, dm), dtype=jnp.float32)
    for s in range(S_):
        sel = (sid == s) & padding_mask
        proj_s = emb @ proj_W[s] + proj_b[s]
        tok = tok + jnp.where(sel[..., None], proj_s, 0.0)
    # Prepend CLS token.
    cls_tok = jnp.broadcast_to(cls_content[None, None, :], (B_, 1, dm))
    tokens = jnp.concatenate([cls_tok, tok], axis=1)
    # Metadata embeddings (gathers -> SparseCore-friendly).
    pos_full = jnp.concatenate([jnp.zeros((B_, 1), dtype=pos.dtype), pos], axis=1)
    sid_full = jnp.concatenate([jnp.full((B_, 1), S_, dtype=sid.dtype), sid], axis=1)
    tokens = tokens + jnp.take(pos_embed, pos_full, axis=0) + jnp.take(id_embed, sid_full, axis=0)
    extra = jnp.take(mod_embed, mod, axis=0) + jnp.take(role_embed, role, axis=0)
    tokens = tokens.at[:, 1:, :].add(extra)
    attn_keep = jnp.concatenate([jnp.ones((B_, 1), dtype=bool), padding_mask], axis=1)
    return tokens, attn_keep

if __name__ == "__main__":
    import jax
    _d = setup_inputs()
    print(jax.jit(kernel)(*tuple(_d.values())))

</pallas_src>

<mosaic_0001>
#map = affine_map<(d0, d1) -> (0, 0)>
#map1 = affine_map<(d0, d1) -> (0)>
#map2 = affine_map<(d0, d1) -> (0, 0, 0)>
module attributes {stable_mosaic.version = 14 : i64} {
  func.func @gather_kernel(%arg0: i32, %arg1: i32, %arg2: memref<2049x1024xf32, #tpu.memory_space<hbm>>, %arg3: memref<4112xi32, #tpu.memory_space<hbm>>, %arg4: memref<2x2049x1024xf32, #tpu.memory_space<hbm>>, %arg5: memref<136xi32, #tpu.memory_space<vmem>>, %arg6: memref<64x1024xf32, #tpu.memory_space<vmem>>, %arg7: memref<1x1024xf32, #tpu.memory_space<vmem>>, %arg8: memref<!tpu.dma_semaphore, #tpu.memory_space<semaphore_mem>>) attributes {dimension_semantics = [#tpu.dimension_semantics<core_parallel>, #tpu.dimension_semantics<subcore_parallel>], iteration_bounds = array<i64: 2, 16>, scalar_prefetch = 0 : i64, scratch_operands = 4 : i64, tpu.core_type = #tpu.core_type<sc_vector_subcore>, window_params = [{transform_indices = #map}, {transform_indices = #map1}, {transform_indices = #map2}]} {
    %mul3A = arith.constant 2 : i32
    %mul3A_0 = arith.muli %arg1, %mul3A : i32
    %add3A = arith.addi %mul3A_0, %arg0 : i32
    %jit3A = arith.constant 16 : i32
    %div3A = arith.divsi %add3A, %jit3A : i32
    %sign3A = arith.constant 0 : i32
    %sign3A_1 = arith.cmpi sgt, %add3A, %sign3A : i32
    %sign3A_2 = arith.extui %sign3A_1 : i1 to i32
    %sign3A_3 = arith.constant 0 : i32
    %sign3A_4 = arith.cmpi slt, %add3A, %sign3A_3 : i32
    %sign3A_5 = arith.extui %sign3A_4 : i1 to i32
    %sign3A_6 = arith.subi %sign3A_2, %sign3A_5 : i32
    %sign3A_7 = arith.constant 0 : i32
    %sign3A_8 = arith.cmpi sgt, %jit3A, %sign3A_7 : i32
    %sign3A_9 = arith.extui %sign3A_8 : i1 to i32
    %sign3A_10 = arith.constant 0 : i32
    %sign3A_11 = arith.cmpi slt, %jit3A, %sign3A_10 : i32
    %sign3A_12 = arith.extui %sign3A_11 : i1 to i32
    %sign3A_13 = arith.subi %sign3A_9, %sign3A_12 : i32
    %ne3A = arith.cmpi ne, %sign3A_6, %sign3A_13 : i32
    %rem3A = arith.remsi %add3A, %jit3A : i32
    %ne3A_14 = arith.constant 0 : i32
    %ne3A_15 = arith.cmpi ne, %rem3A, %ne3A_14 : i32
    %and3A = arith.andi %ne3A, %ne3A_15 : i1
    %sub3A = arith.constant 1 : i32
    %sub3A_16 = arith.subi %div3A, %sub3A : i32
    %select_n3A = arith.select %and3A, %sub3A_16, %div3A : i32
    %jit3A_17 = arith.constant 16 : i32
    %eq3A = arith.constant 0 : i32
    %eq3A_18 = arith.cmpi eq, %jit3A_17, %eq3A : i32
    %jit3A_19 = arith.constant 1 : i32
    %select_n3A_20 = arith.select %eq3A_18, %jit3A_19, %jit3A_17 : i32
    %rem3A_21 = arith.remsi %add3A, %select_n3A_20 : i32
    %ne3A_22 = arith.constant 0 : i32
    %ne3A_23 = arith.cmpi ne, %rem3A_21, %ne3A_22 : i32
    %lt3A = arith.constant 0 : i32
    %lt3A_24 = arith.cmpi slt, %rem3A_21, %lt3A : i32
    %lt3A_25 = arith.constant 0 : i32
    %lt3A_26 = arith.cmpi slt, %select_n3A_20, %lt3A_25 : i32
    %ne3A_27 = arith.xori %lt3A_24, %lt3A_26 : i1
    %and3A_28 = arith.andi %ne3A_27, %ne3A_23 : i1
    %add3A_29 = arith.addi %rem3A_21, %select_n3A_20 : i32
    %select_n3A_30 = arith.select %and3A_28, %add3A_29, %rem3A_21 : i32
    %mul3A_31 = arith.constant 128 : i32
    %mul3A_32 = arith.muli %select_n3A_30, %mul3A_31 : i32
    %eq3A_33 = arith.constant 15 : i32
    %eq3A_34 = arith.cmpi eq, %select_n3A_30, %eq3A_33 : i32
    %mul3A_35 = arith.constant 2056 : i32
    %mul3A_36 = arith.muli %select_n3A, %mul3A_35 : i32
    %add3A_37 = arith.addi %mul3A_36, %mul3A_32 : i32
    "tpu.region"() ({
      %run_scoped3A = tpu.sem_alloc : memref<!tpu.dma_semaphore, #tpu.memory_space<semaphore_mem>>
      %dma_start3A_61 = arith.constant 0 : i32
      %dma_start3A_62 = tpu.memref_slice %arg5[%dma_start3A_61] : memref<136xi32, #tpu.memory_space<vmem>> -> memref<128xi32, #tpu.memory_space<vmem>>
      %dma_start3A_63 = tpu.memref_slice %arg3[%add3A_37] : memref<4112xi32, #tpu.memory_space<hbm>> -> memref<128xi32, #tpu.memory_space<hbm>>
      %dma_start3A_64 = arith.constant 0 : i32
      %dma_start3A_65 = tpu.memref_slice %arg5[%dma_start3A_64] : memref<136xi32, #tpu.memory_space<vmem>> -> memref<128xi32, #tpu.memory_space<vmem>>
      %dma_start3A_66 = tpu.memref_slice %arg3[%add3A_37] : memref<4112xi32, #tpu.memory_space<hbm>> -> memref<128xi32, #tpu.memory_space<hbm>>
      tpu.enqueue_dma source(%dma_start3A_66 : memref<128xi32, #tpu.memory_space<hbm>>) target(%dma_start3A_65 : memref<128xi32, #tpu.memory_space<vmem>>) target_semaphore(%run_scoped3A : memref<!tpu.dma_semaphore, #tpu.memory_space<semaphore_mem>>)
      %dma_wait3A_67 = arith.constant 0 : i32
      %dma_wait3A_68 = tpu.memref_slice %arg5[%dma_wait3A_67] : memref<136xi32, #tpu.memory_space<vmem>> -> memref<128xi32, #tpu.memory_space<vmem>>
      %dma_wait3A_69 = tpu.memref_slice %arg3[%add3A_37] : memref<4112xi32, #tpu.memory_space<hbm>> -> memref<128xi32, #tpu.memory_space<hbm>>
      %dma_wait3A_70 = arith.constant 0 : i32
      %dma_wait3A_71 = tpu.memref_slice %arg5[%dma_wait3A_70] : memref<136xi32, #tpu.memory_space<vmem>> -> memref<128xi32, #tpu.memory_space<vmem>>
      %dma_wait3A_72 = tpu.memref_slice %arg3[%add3A_37] : memref<4112xi32, #tpu.memory_space<hbm>> -> memref<128xi32, #tpu.memory_space<hbm>>
      tpu.wait_dma2 semaphore(%run_scoped3A : memref<!tpu.dma_semaphore, #tpu.memory_space<semaphore_mem>>) src(%dma_wait3A_72 : memref<128xi32, #tpu.memory_space<hbm>>) dst(%dma_wait3A_71 : memref<128xi32, #tpu.memory_space<vmem>>)
      tpu.yield
    }) : () -> ()
    %dma_start3A = arith.constant 0 : i32
    %dma_start3A_38 = tpu.memref_slice %arg5[%dma_start3A] : memref<136xi32, #tpu.memory_space<vmem>> -> memref<64xi32, #tpu.memory_space<vmem>>
    %dma_start3A_39 = arith.constant 0 : i32
    %dma_start3A_40 = arith.constant 0 : i32
    %dma_start3A_41 = tpu.memref_slice %arg2[%dma_start3A_39, %dma_start3A_40] : memref<2049x1024xf32, #tpu.memory_space<hbm>> -> memref<2049x1024xf32, #tpu.memory_space<hbm>>
    tpu.enqueue_indirect_dma source(%dma_start3A_41 : memref<2049x1024xf32, #tpu.memory_space<hbm>>) target(%arg6 : memref<64x1024xf32, #tpu.memory_space<vmem>>) offsets(%dma_start3A_38 : memref<64xi32, #tpu.memory_space<vmem>>) semaphore(%arg8 : memref<!tpu.dma_semaphore, #tpu.memory_space<semaphore_mem>>)
    %dma_wait3A = arith.constant 0 : i32
    %dma_wait3A_42 = tpu.memref_slice %arg5[%dma_wait3A] : memref<136xi32, #tpu.memory_space<vmem>> -> memref<64xi32, #tpu.memory_space<vmem>>
    %dma_wait3A_43 = arith.constant 0 : i32
    %dma_wait3A_44 = arith.constant 0 : i32
    %dma_wait3A_45 = tpu.memref_slice %arg2[%dma_wait3A_43, %dma_wait3A_44] : memref<2049x1024xf32, #tpu.memory_space<hbm>> -> memref<2049x1024xf32, #tpu.memory_space<hbm>>
    tpu.wait_indirect_dma semaphore(%arg8 : memref<!tpu.dma_semaphore, #tpu.memory_space<semaphore_mem>>) src(%dma_wait3A_45 : memref<2049x1024xf32, #tpu.memory_space<hbm>>) dst(%arg6 : memref<64x1024xf32, #tpu.memory_space<vmem>>)
    %add3A_46 = arith.constant 0 : i32
    %add3A_47 = arith.addi %mul3A_32, %add3A_46 : i32
    "tpu.region"() ({
      %run_scoped3A = tpu.sem_alloc : memref<!tpu.dma_semaphore, #tpu.memory_space<semaphore_mem>>
      %dma_start3A_61 = arith.constant 0 : i32
      %dma_start3A_62 = tpu.memref_slice %arg4[%select_n3A, %add3A_47, %dma_start3A_61] : memref<2x2049x1024xf32, #tpu.memory_space<hbm>> -> memref<1x64x1024xf32, #tpu.memory_space<hbm>>
      %dma_start3A_63 = tpu.memref_squeeze %dma_start3A_62 : memref<1x64x1024xf32, #tpu.memory_space<hbm>> -> memref<64x1024xf32, #tpu.memory_space<hbm>>
      %dma_start3A_64 = arith.constant 0 : i32
      %dma_start3A_65 = tpu.memref_slice %arg4[%select_n3A, %add3A_47, %dma_start3A_64] : memref<2x2049x1024xf32, #tpu.memory_space<hbm>> -> memref<1x64x1024xf32, #tpu.memory_space<hbm>>
      %dma_start3A_66 = tpu.memref_squeeze %dma_start3A_65 : memref<1x64x1024xf32, #tpu.memory_space<hbm>> -> memref<64x1024xf32, #tpu.memory_space<hbm>>
      tpu.enqueue_dma source(%arg6 : memref<64x1024xf32, #tpu.memory_space<vmem>>) target(%dma_start3A_66 : memref<64x1024xf32, #tpu.memory_space<hbm>>) target_semaphore(%run_scoped3A : memref<!tpu.dma_semaphore, #tpu.memory_space<semaphore_mem>>)
      %dma_wait3A_67 = arith.constant 0 : i32
      %dma_wait3A_68 = tpu.memref_slice %arg4[%select_n3A, %add3A_47, %dma_wait3A_67] : memref<2x2049x1024xf32, #tpu.memory_space<hbm>> -> memref<1x64x1024xf32, #tpu.memory_space<hbm>>
      %dma_wait3A_69 = tpu.memref_squeeze %dma_wait3A_68 : memref<1x64x1024xf32, #tpu.memory_space<hbm>> -> memref<64x1024xf32, #tpu.memory_space<hbm>>
      %dma_wait3A_70 = arith.constant 0 : i32
      %dma_wait3A_71 = tpu.memref_slice %arg4[%select_n3A, %add3A_47, %dma_wait3A_70] : memref<2x2049x1024xf32, #tpu.memory_space<hbm>> -> memref<1x64x1024xf32, #tpu.memory_space<hbm>>
      %dma_wait3A_72 = tpu.memref_squeeze %dma_wait3A_71 : memref<1x64x1024xf32, #tpu.memory_space<hbm>> -> memref<64x1024xf32, #tpu.memory_space<hbm>>
      tpu.wait_dma2 semaphore(%run_scoped3A : memref<!tpu.dma_semaphore, #tpu.memory_space<semaphore_mem>>) src(%arg6 : memref<64x1024xf32, #tpu.memory_space<vmem>>) dst(%dma_wait3A_72 : memref<64x1024xf32, #tpu.memory_space<hbm>>)
      tpu.yield
    }) : () -> ()
    %dma_start3A_48 = arith.constant 64 : i32
    %dma_start3A_49 = tpu.memref_slice %arg5[%dma_start3A_48] : memref<136xi32, #tpu.memory_space<vmem>> -> memref<64xi32, #tpu.memory_space<vmem>>
    %dma_start3A_50 = arith.constant 0 : i32
    %dma_start3A_51 = arith.constant 0 : i32
    %dma_start3A_52 = tpu.memref_slice %arg2[%dma_start3A_50, %dma_start3A_51] : memref<2049x1024xf32, #tpu.memory_space<hbm>> -> memref<2049x1024xf32, #tpu.memory_space<hbm>>
    tpu.enqueue_indirect_dma source(%dma_start3A_52 : memref<2049x1024xf32, #tpu.memory_space<hbm>>) target(%arg6 : memref<64x1024xf32, #tpu.memory_space<vmem>>) offsets(%dma_start3A_49 : memref<64xi32, #tpu.memory_space<vmem>>) semaphore(%arg8 : memref<!tpu.dma_semaphore, #tpu.memory_space<semaphore_mem>>)
    %dma_wait3A_53 = arith.constant 64 : i32
    %dma_wait3A_54 = tpu.memref_slice %arg5[%dma_wait3A_53] : memref<136xi32, #tpu.memory_space<vmem>> -> memref<64xi32, #tpu.memory_space<vmem>>
    %dma_wait3A_55 = arith.constant 0 : i32
    %dma_wait3A_56 = arith.constant 0 : i32
    %dma_wait3A_57 = tpu.memref_slice %arg2[%dma_wait3A_55, %dma_wait3A_56] : memref<2049x1024xf32, #tpu.memory_space<hbm>> -> memref<2049x1024xf32, #tpu.memory_space<hbm>>
    tpu.wait_indirect_dma semaphore(%arg8 : memref<!tpu.dma_semaphore, #tpu.memory_space<semaphore_mem>>) src(%dma_wait3A_57 : memref<2049x1024xf32, #tpu.memory_space<hbm>>) dst(%arg6 : memref<64x1024xf32, #tpu.memory_space<vmem>>)
    %add3A_58 = arith.constant 64 : i32
    %add3A_59 = arith.addi %mul3A_32, %add3A_58 : i32
    "tpu.region"() ({
      %run_scoped3A = tpu.sem_alloc : memref<!tpu.dma_semaphore, #tpu.memory_space<semaphore_mem>>
      %dma_start3A_61 = arith.constant 0 : i32
      %dma_start3A_62 = tpu.memref_slice %arg4[%select_n3A, %add3A_59, %dma_start3A_61] : memref<2x2049x1024xf32, #tpu.memory_space<hbm>> -> memref<1x64x1024xf32, #tpu.memory_space<hbm>>
      %dma_start3A_63 = tpu.memref_squeeze %dma_start3A_62 : memref<1x64x1024xf32, #tpu.memory_space<hbm>> -> memref<64x1024xf32, #tpu.memory_space<hbm>>
      %dma_start3A_64 = arith.constant 0 : i32
      %dma_start3A_65 = tpu.memref_slice %arg4[%select_n3A, %add3A_59, %dma_start3A_64] : memref<2x2049x1024xf32, #tpu.memory_space<hbm>> -> memref<1x64x1024xf32, #tpu.memory_space<hbm>>
      %dma_start3A_66 = tpu.memref_squeeze %dma_start3A_65 : memref<1x64x1024xf32, #tpu.memory_space<hbm>> -> memref<64x1024xf32, #tpu.memory_space<hbm>>
      tpu.enqueue_dma source(%arg6 : memref<64x1024xf32, #tpu.memory_space<vmem>>) target(%dma_start3A_66 : memref<64x1024xf32, #tpu.memory_space<hbm>>) target_semaphore(%run_scoped3A : memref<!tpu.dma_semaphore, #tpu.memory_space<semaphore_mem>>)
      %dma_wait3A_67 = arith.constant 0 : i32
      %dma_wait3A_68 = tpu.memref_slice %arg4[%select_n3A, %add3A_59, %dma_wait3A_67] : memref<2x2049x1024xf32, #tpu.memory_space<hbm>> -> memref<1x64x1024xf32, #tpu.memory_space<hbm>>
      %dma_wait3A_69 = tpu.memref_squeeze %dma_wait3A_68 : memref<1x64x1024xf32, #tpu.memory_space<hbm>> -> memref<64x1024xf32, #tpu.memory_space<hbm>>
      %dma_wait3A_70 = arith.constant 0 : i32
      %dma_wait3A_71 = tpu.memref_slice %arg4[%select_n3A, %add3A_59, %dma_wait3A_70] : memref<2x2049x1024xf32, #tpu.memory_space<hbm>> -> memref<1x64x1024xf32, #tpu.memory_space<hbm>>
      %dma_wait3A_72 = tpu.memref_squeeze %dma_wait3A_71 : memref<1x64x1024xf32, #tpu.memory_space<hbm>> -> memref<64x1024xf32, #tpu.memory_space<hbm>>
      tpu.wait_dma2 semaphore(%run_scoped3A : memref<!tpu.dma_semaphore, #tpu.memory_space<semaphore_mem>>) src(%arg6 : memref<64x1024xf32, #tpu.memory_space<vmem>>) dst(%dma_wait3A_72 : memref<64x1024xf32, #tpu.memory_space<hbm>>)
      tpu.yield
    }) : () -> ()
    %convert_element_type3A = arith.extui %eq3A_34 : i1 to i32
    %cond3A = arith.constant 0 : i32
    %cond3A_60 = arith.cmpi ne, %convert_element_type3A, %cond3A : i32
    scf.if %cond3A_60 {
      %mul3A_61 = arith.constant 2056 : i32
      %mul3A_62 = arith.muli %select_n3A, %mul3A_61 : i32
      %add3A_63 = arith.constant 2049 : i32
      %add3A_64 = arith.addi %mul3A_62, %add3A_63 : i32
      %sub3A_65 = arith.constant 1 : i32
      %sub3A_66 = arith.subi %add3A_64, %sub3A_65 : i32
      "tpu.region"() ({
        %run_scoped3A = tpu.sem_alloc : memref<!tpu.dma_semaphore, #tpu.memory_space<semaphore_mem>>
        %dma_start3A_77 = arith.constant 128 : i32
        %dma_start3A_78 = tpu.memref_slice %arg5[%dma_start3A_77] : memref<136xi32, #tpu.memory_space<vmem>> -> memref<1xi32, #tpu.memory_space<vmem>>
        %dma_start3A_79 = tpu.memref_slice %arg3[%sub3A_66] : memref<4112xi32, #tpu.memory_space<hbm>> -> memref<1xi32, #tpu.memory_space<hbm>>
        %dma_start3A_80 = arith.constant 128 : i32
        %dma_start3A_81 = tpu.memref_slice %arg5[%dma_start3A_80] : memref<136xi32, #tpu.memory_space<vmem>> -> memref<1xi32, #tpu.memory_space<vmem>>
        %dma_start3A_82 = tpu.memref_slice %arg3[%sub3A_66] : memref<4112xi32, #tpu.memory_space<hbm>> -> memref<1xi32, #tpu.memory_space<hbm>>
        tpu.enqueue_dma source(%dma_start3A_82 : memref<1xi32, #tpu.memory_space<hbm>>) target(%dma_start3A_81 : memref<1xi32, #tpu.memory_space<vmem>>) target_semaphore(%run_scoped3A : memref<!tpu.dma_semaphore, #tpu.memory_space<semaphore_mem>>)
        %dma_wait3A_83 = arith.constant 128 : i32
        %dma_wait3A_84 = tpu.memref_slice %arg5[%dma_wait3A_83] : memref<136xi32, #tpu.memory_space<vmem>> -> memref<1xi32, #tpu.memory_space<vmem>>
        %dma_wait3A_85 = tpu.memref_slice %arg3[%sub3A_66] : memref<4112xi32, #tpu.memory_space<hbm>> -> memref<1xi32, #tpu.memory_space<hbm>>
        %dma_wait3A_86 = arith.constant 128 : i32
        %dma_wait3A_87 = tpu.memref_slice %arg5[%dma_wait3A_86] : memref<136xi32, #tpu.memory_space<vmem>> -> memref<1xi32, #tpu.memory_space<vmem>>
        %dma_wait3A_88 = tpu.memref_slice %arg3[%sub3A_66] : memref<4112xi32, #tpu.memory_space<hbm>> -> memref<1xi32, #tpu.memory_space<hbm>>
        tpu.wait_dma2 semaphore(%run_scoped3A : memref<!tpu.dma_semaphore, #tpu.memory_space<semaphore_mem>>) src(%dma_wait3A_88 : memref<1xi32, #tpu.memory_space<hbm>>) dst(%dma_wait3A_87 : memref<1xi32, #tpu.memory_space<vmem>>)
        tpu.yield
      }) : () -> ()
      %dma_start3A_67 = arith.constant 128 : i32
      %dma_start3A_68 = tpu.memref_slice %arg5[%dma_start3A_67] : memref<136xi32, #tpu.memory_space<vmem>> -> memref<1xi32, #tpu.memory_space<vmem>>
      %dma_start3A_69 = arith.constant 0 : i32
      %dma_start3A_70 = arith.constant 0 : i32
      %dma_start3A_71 = tpu.memref_slice %arg2[%dma_start3A_69, %dma_start3A_70] : memref<2049x1024xf32, #tpu.memory_space<hbm>> -> memref<2049x1024xf32, #tpu.memory_space<hbm>>
      tpu.enqueue_indirect_dma source(%dma_start3A_71 : memref<2049x1024xf32, #tpu.memory_space<hbm>>) target(%arg7 : memref<1x1024xf32, #tpu.memory_space<vmem>>) offsets(%dma_start3A_68 : memref<1xi32, #tpu.memory_space<vmem>>) semaphore(%arg8 : memref<!tpu.dma_semaphore, #tpu.memory_space<semaphore_mem>>)
      %dma_wait3A_72 = arith.constant 128 : i32
      %dma_wait3A_73 = tpu.memref_slice %arg5[%dma_wait3A_72] : memref<136xi32, #tpu.memory_space<vmem>> -> memref<1xi32, #tpu.memory_space<vmem>>
      %dma_wait3A_74 = arith.constant 0 : i32
      %dma_wait3A_75 = arith.constant 0 : i32
      %dma_wait3A_76 = tpu.memref_slice %arg2[%dma_wait3A_74, %dma_wait3A_75] : memref<2049x1024xf32, #tpu.memory_space<hbm>> -> memref<2049x1024xf32, #tpu.memory_space<hbm>>
      tpu.wait_indirect_dma semaphore(%arg8 : memref<!tpu.dma_semaphore, #tpu.memory_space<semaphore_mem>>) src(%dma_wait3A_76 : memref<2049x1024xf32, #tpu.memory_space<hbm>>) dst(%arg7 : memref<1x1024xf32, #tpu.memory_space<vmem>>)
      "tpu.region"() ({
        %run_scoped3A = tpu.sem_alloc : memref<!tpu.dma_semaphore, #tpu.memory_space<semaphore_mem>>
        %dma_start3A_77 = arith.constant 2048 : i32
        %dma_start3A_78 = arith.constant 0 : i32
        %dma_start3A_79 = tpu.memref_slice %arg4[%select_n3A, %dma_start3A_77, %dma_start3A_78] : memref<2x2049x1024xf32, #tpu.memory_space<hbm>> -> memref<1x1x1024xf32, #tpu.memory_space<hbm>>
        %dma_start3A_80 = tpu.memref_squeeze %dma_start3A_79 : memref<1x1x1024xf32, #tpu.memory_space<hbm>> -> memref<1x1024xf32, #tpu.memory_space<hbm>>
        %dma_start3A_81 = arith.constant 2048 : i32
        %dma_start3A_82 = arith.constant 0 : i32
        %dma_start3A_83 = tpu.memref_slice %arg4[%select_n3A, %dma_start3A_81, %dma_start3A_82] : memref<2x2049x1024xf32, #tpu.memory_space<hbm>> -> memref<1x1x1024xf32, #tpu.memory_space<hbm>>
        %dma_start3A_84 = tpu.memref_squeeze %dma_start3A_83 : memref<1x1x1024xf32, #tpu.memory_space<hbm>> -> memref<1x1024xf32, #tpu.memory_space<hbm>>
        tpu.enqueue_dma source(%arg7 : memref<1x1024xf32, #tpu.memory_space<vmem>>) target(%dma_start3A_84 : memref<1x1024xf32, #tpu.memory_space<hbm>>) target_semaphore(%run_scoped3A : memref<!tpu.dma_semaphore, #tpu.memory_space<semaphore_mem>>)
        %dma_wait3A_85 = arith.constant 2048 : i32
        %dma_wait3A_86 = arith.constant 0 : i32
        %dma_wait3A_87 = tpu.memref_slice %arg4[%select_n3A, %dma_wait3A_85, %dma_wait3A_86] : memref<2x2049x1024xf32, #tpu.memory_space<hbm>> -> memref<1x1x1024xf32, #tpu.memory_space<hbm>>
        %dma_wait3A_88 = tpu.memref_squeeze %dma_wait3A_87 : memref<1x1x1024xf32, #tpu.memory_space<hbm>> -> memref<1x1024xf32, #tpu.memory_space<hbm>>
        %dma_wait3A_89 = arith.constant 2048 : i32
        %dma_wait3A_90 = arith.constant 0 : i32
        %dma_wait3A_91 = tpu.memref_slice %arg4[%select_n3A, %dma_wait3A_89, %dma_wait3A_90] : memref<2x2049x1024xf32, #tpu.memory_space<hbm>> -> memref<1x1x1024xf32, #tpu.memory_space<hbm>>
        %dma_wait3A_92 = tpu.memref_squeeze %dma_wait3A_91 : memref<1x1x1024xf32, #tpu.memory_space<hbm>> -> memref<1x1024xf32, #tpu.memory_space<hbm>>
        tpu.wait_dma2 semaphore(%run_scoped3A : memref<!tpu.dma_semaphore, #tpu.memory_space<semaphore_mem>>) src(%arg7 : memref<1x1024xf32, #tpu.memory_space<vmem>>) dst(%dma_wait3A_92 : memref<1x1024xf32, #tpu.memory_space<hbm>>)
        tpu.yield
      }) : () -> ()
    } else {
    }
    return
  }
}

module attributes {stable_mosaic.version = 14 : i64} {
  func.func @_encode_tc_body(%arg0: i32, %arg1: memref<2x416x64xbf16, #tpu.memory_space<vmem>>, %arg2: memref<2x416x1xi32, #tpu.memory_space<vmem>>, %arg3: memref<1024x1024xbf16, #tpu.memory_space<vmem>>, %arg4: memref<40x1024xf32, #tpu.memory_space<vmem>>, %arg5: memref<2x416x1024xf32, #tpu.memory_space<vmem>>, %arg6: memref<1x1024xf32, #tpu.memory_space<vmem>>, %arg7: memref<6656x128xf32, #tpu.memory_space<vmem>>) attributes {dimension_semantics = [#tpu.dimension_semantics<arbitrary>], iteration_bounds = array<i64: 5>, scalar_prefetch = 0 : i64, scratch_operands = 0 : i64, tpu.core_type = #tpu.core_type<tc>, window_params = [{transform_indices = @transform_0, window_bounds = array<i64: 2, 416, 64>}, {transform_indices = @transform_1, window_bounds = array<i64: 2, 416, 1>}, {pipeline_mode = #tpu.pipeline_mode<synchronous>, transform_indices = @transform_2, window_bounds = array<i64: 1024, 1024>}, {pipeline_mode = #tpu.pipeline_mode<synchronous>, transform_indices = @transform_3, window_bounds = array<i64: 40, 1024>}, {transform_indices = @transform_4, window_bounds = array<i64: 2, 416, 1024>}, {pipeline_mode = #tpu.pipeline_mode<synchronous>, transform_indices = @transform_5, window_bounds = array<i64: 1, 1024>}, {transform_indices = @transform_6, window_bounds = array<i64: 6656, 128>}]} {
    %get3A = arith.constant 0 : index
    %get3A_0 = arith.constant 0 : index
    %get3A_1 = arith.constant 0 : index
    %get3A_2 = vector.load %arg2[%get3A, %get3A_0, %get3A_1] : memref<2x416x1xi32, #tpu.memory_space<vmem>>, vector<1x416x1xi32>
    %get3A_3 = vector.shape_cast %get3A_2 : vector<1x416x1xi32> to vector<416x1xi32>
    %and3A = arith.constant 15 : i32
    %and3A_4 = vector.broadcast %and3A : i32 to vector<416x1xi32>
    %and3A_5 = arith.andi %get3A_3, %and3A_4 : vector<416x1xi32>
    %shift_right_arithmetic3A = arith.constant 4 : i32
    %shift_right_arithmetic3A_6 = vector.broadcast %shift_right_arithmetic3A : i32 to vector<416x1xi32>
    %shift_right_arithmetic3A_7 = arith.shrsi %get3A_3, %shift_right_arithmetic3A_6 : vector<416x1xi32>
    %and3A_8 = arith.constant 3 : i32
    %and3A_9 = vector.broadcast %and3A_8 : i32 to vector<416x1xi32>
    %and3A_10 = arith.andi %shift_right_arithmetic3A_7, %and3A_9 : vector<416x1xi32>
    %shift_right_arithmetic3A_11 = arith.constant 6 : i32
    %shift_right_arithmetic3A_12 = vector.broadcast %shift_right_arithmetic3A_11 : i32 to vector<416x1xi32>
    %shift_right_arithmetic3A_13 = arith.shrsi %get3A_3, %shift_right_arithmetic3A_12 : vector<416x1xi32>
    %and3A_14 = arith.constant 3 : i32
    %and3A_15 = vector.broadcast %and3A_14 : i32 to vector<416x1xi32>
    %and3A_16 = arith.andi %shift_right_arithmetic3A_13, %and3A_15 : vector<416x1xi32>
    %shift_right_arithmetic3A_17 = arith.constant 8 : i32
    %shift_right_arithmetic3A_18 = vector.broadcast %shift_right_arithmetic3A_17 : i32 to vector<416x1xi32>
    %shift_right_arithmetic3A_19 = arith.shrsi %get3A_3, %shift_right_arithmetic3A_18 : vector<416x1xi32>
    %get3A_20 = arith.constant 0 : index
    %get3A_21 = arith.constant 0 : index
    %get3A_22 = arith.constant 0 : index
    %get3A_23 = vector.load %arg1[%get3A_20, %get3A_21, %get3A_22] : memref<2x416x64xbf16, #tpu.memory_space<vmem>>, vector<1x416x64xbf16>
    %get3A_24 = vector.shape_cast %get3A_23 : vector<1x416x64xbf16> to vector<416x64xbf16>
    %concatenate3A = tpu.concatenate %get3A_24, %get3A_24, %get3A_24, %get3A_24, %get3A_24, %get3A_24, %get3A_24, %get3A_24, %get3A_24, %get3A_24, %get3A_24, %get3A_24, %get3A_24, %get3A_24, %get3A_24, %get3A_24 in 1 : vector<416x64xbf16>, vector<416x64xbf16>, vector<416x64xbf16>, vector<416x64xbf16>, vector<416x64xbf16>, vector<416x64xbf16>, vector<416x64xbf16>, vector<416x64xbf16>, vector<416x64xbf16>, vector<416x64xbf16>, vector<416x64xbf16>, vector<416x64xbf16>, vector<416x64xbf16>, vector<416x64xbf16>, vector<416x64xbf16>, vector<416x64xbf16> -> vector<416x1024xbf16>
    %iota3A = tpu.iota {dimensions = array<i32: 1>} : vector<416x1024xi32>
    %jit3A = arith.constant 64 : i32
    %div3A = vector.broadcast %jit3A : i32 to vector<416x1024xi32>
    %div3A_25 = arith.divsi %iota3A, %div3A : vector<416x1024xi32>
    %sign3A = arith.constant 0 : i32
    %sign3A_26 = vector.broadcast %sign3A : i32 to vector<416x1024xi32>
    %sign3A_27 = arith.cmpi sgt, %iota3A, %sign3A_26 : vector<416x1024xi32>
    %sign3A_28 = arith.extui %sign3A_27 : vector<416x1024xi1> to vector<416x1024xi32>
    %sign3A_29 = arith.constant 0 : i32
    %sign3A_30 = vector.broadcast %sign3A_29 : i32 to vector<416x1024xi32>
    %sign3A_31 = arith.cmpi slt, %iota3A, %sign3A_30 : vector<416x1024xi32>
    %sign3A_32 = arith.extui %sign3A_31 : vector<416x1024xi1> to vector<416x1024xi32>
    %sign3A_33 = arith.subi %sign3A_28, %sign3A_32 : vector<416x1024xi32>
    %sign3A_34 = arith.constant 0 : i32
    %sign3A_35 = arith.cmpi sgt, %jit3A, %sign3A_34 : i32
    %sign3A_36 = arith.extui %sign3A_35 : i1 to i32
    %sign3A_37 = arith.constant 0 : i32
    %sign3A_38 = arith.cmpi slt, %jit3A, %sign3A_37 : i32
    %sign3A_39 = arith.extui %sign3A_38 : i1 to i32
    %sign3A_40 = arith.subi %sign3A_36, %sign3A_39 : i32
    %ne3A = vector.broadcast %sign3A_40 : i32 to vector<416x1024xi32>
    %ne3A_41 = arith.cmpi ne, %sign3A_33, %ne3A : vector<416x1024xi32>
    %rem3A = vector.broadcast %jit3A : i32 to vector<416x1024xi32>
    %rem3A_42 = arith.remsi %iota3A, %rem3A : vector<416x1024xi32>
    %ne3A_43 = arith.constant 0 : i32
    %ne3A_44 = vector.broadcast %ne3A_43 : i32 to vector<416x1024xi32>
    %ne3A_45 = arith.cmpi ne, %rem3A_42, %ne3A_44 : vector<416x1024xi32>
    %and3A_46 = arith.andi %ne3A_41, %ne3A_45 : vector<416x1024xi1>
    %sub3A = arith.constant 1 : i32
    %sub3A_47 = vector.broadcast %sub3A : i32 to vector<416x1024xi32>
    %sub3A_48 = arith.subi %div3A_25, %sub3A_47 : vector<416x1024xi32>
    %select_n3A = arith.select %and3A_46, %sub3A_48, %div3A_25 : vector<416x1024xi1>, vector<416x1024xi32>
    %eq3A = vector.broadcast %and3A_5 : vector<416x1xi32> to vector<416x1024xi32>
    %eq3A_49 = arith.cmpi eq, %select_n3A, %eq3A : vector<416x1024xi32>
    %ne3A_50 = arith.constant 0 : i32
    %ne3A_51 = vector.broadcast %ne3A_50 : i32 to vector<416x1xi32>
    %ne3A_52 = arith.cmpi ne, %shift_right_arithmetic3A_19, %ne3A_51 : vector<416x1xi32>
    %and3A_53 = vector.broadcast %ne3A_52 : vector<416x1xi1> to vector<416x1024xi1>
    %and3A_54 = arith.andi %eq3A_49, %and3A_53 : vector<416x1024xi1>
    %jit3A_55 = arith.constant 0.000000e+00 : bf16
    %broadcast_in_dim3A = vector.broadcast %jit3A_55 : bf16 to vector<416x1024xbf16>
    %select_n3A_56 = arith.select %and3A_54, %concatenate3A, %broadcast_in_dim3A : vector<416x1024xi1>, vector<416x1024xbf16>
    %get3A_57 = arith.constant 0 : index
    %get3A_58 = arith.constant 0 : index
    %get3A_59 = vector.load %arg3[%get3A_57, %get3A_58] : memref<1024x1024xbf16, #tpu.memory_space<vmem>>, vector<1024x1024xbf16>
    %dot_general3A = arith.constant dense<0.000000e+00> : vector<416x1024xf32>
    %dot_general3A_60 = tpu.matmul %select_n3A_56, %get3A_59, %dot_general3A {dimension_numbers = #tpu.dot_dimension_numbers<[1], [0], [0], [1], [0, 0, 1, 1], [], []>, transpose_lhs_hint = false} : vector<416x1024xbf16>, vector<1024x1024xbf16>, vector<416x1024xf32> -> vector<416x1024xf32>
    %iota3A_61 = tpu.iota {dimensions = array<i32: 1>} : vector<416x40xi32>
    %lt3A = arith.constant 16 : i32
    %lt3A_62 = vector.broadcast %lt3A : i32 to vector<416x40xi32>
    %lt3A_63 = arith.cmpi slt, %iota3A_61, %lt3A_62 : vector<416x40xi32>
    %eq3A_64 = vector.broadcast %and3A_5 : vector<416x1xi32> to vector<416x40xi32>
    %eq3A_65 = arith.cmpi eq, %iota3A_61, %eq3A_64 : vector<416x40xi32>
    %ne3A_66 = arith.constant 0 : i32
    %ne3A_67 = vector.broadcast %ne3A_66 : i32 to vector<416x1xi32>
    %ne3A_68 = arith.cmpi ne, %shift_right_arithmetic3A_19, %ne3A_67 : vector<416x1xi32>
    %and3A_69 = vector.broadcast %ne3A_68 : vector<416x1xi1> to vector<416x40xi1>
    %and3A_70 = arith.andi %eq3A_65, %and3A_69 : vector<416x40xi1>
    %jit3A_71 = arith.constant 1.000000e+00 : f32
    %jit3A_72 = arith.constant 0.000000e+00 : f32
    %broadcast_in_dim3A_73 = vector.broadcast %jit3A_71 : f32 to vector<416x40xf32>
    %broadcast_in_dim3A_74 = vector.broadcast %jit3A_72 : f32 to vector<416x40xf32>
    %select_n3A_75 = arith.select %and3A_70, %broadcast_in_dim3A_73, %broadcast_in_dim3A_74 : vector<416x40xi1>, vector<416x40xf32>
    %lt3A_76 = arith.constant 32 : i32
    %lt3A_77 = vector.broadcast %lt3A_76 : i32 to vector<416x40xi32>
    %lt3A_78 = arith.cmpi slt, %iota3A_61, %lt3A_77 : vector<416x40xi32>
    %sub3A_79 = arith.constant 16 : i32
    %sub3A_80 = vector.broadcast %sub3A_79 : i32 to vector<416x40xi32>
    %sub3A_81 = arith.subi %iota3A_61, %sub3A_80 : vector<416x40xi32>
    %eq3A_82 = vector.broadcast %and3A_5 : vector<416x1xi32> to vector<416x40xi32>
    %eq3A_83 = arith.cmpi eq, %sub3A_81, %eq3A_82 : vector<416x40xi32>
    %jit3A_84 = arith.constant 1.000000e+00 : f32
    %jit3A_85 = arith.constant 0.000000e+00 : f32
    %broadcast_in_dim3A_86 = vector.broadcast %jit3A_84 : f32 to vector<416x40xf32>
    %broadcast_in_dim3A_87 = vector.broadcast %jit3A_85 : f32 to vector<416x40xf32>
    %select_n3A_88 = arith.select %eq3A_83, %broadcast_in_dim3A_86, %broadcast_in_dim3A_87 : vector<416x40xi1>, vector<416x40xf32>
    %lt3A_89 = arith.constant 36 : i32
    %lt3A_90 = vector.broadcast %lt3A_89 : i32 to vector<416x40xi32>
    %lt3A_91 = arith.cmpi slt, %iota3A_61, %lt3A_90 : vector<416x40xi32>
    %sub3A_92 = arith.constant 32 : i32
    %sub3A_93 = vector.broadcast %sub3A_92 : i32 to vector<416x40xi32>
    %sub3A_94 = arith.subi %iota3A_61, %sub3A_93 : vector<416x40xi32>
    %eq3A_95 = vector.broadcast %and3A_10 : vector<416x1xi32> to vector<416x40xi32>
    %eq3A_96 = arith.cmpi eq, %sub3A_94, %eq3A_95 : vector<416x40xi32>
    %jit3A_97 = arith.constant 1.000000e+00 : f32
    %jit3A_98 = arith.constant 0.000000e+00 : f32
    %broadcast_in_dim3A_99 = vector.broadcast %jit3A_97 : f32 to vector<416x40xf32>
    %broadcast_in_dim3A_100 = vector.broadcast %jit3A_98 : f32 to vector<416x40xf32>
    %select_n3A_101 = arith.select %eq3A_96, %broadcast_in_dim3A_99, %broadcast_in_dim3A_100 : vector<416x40xi1>, vector<416x40xf32>
    %sub3A_102 = arith.constant 36 : i32
    %sub3A_103 = vector.broadcast %sub3A_102 : i32 to vector<416x40xi32>
    %sub3A_104 = arith.subi %iota3A_61, %sub3A_103 : vector<416x40xi32>
    %eq3A_105 = vector.broadcast %and3A_16 : vector<416x1xi32> to vector<416x40xi32>
    %eq3A_106 = arith.cmpi eq, %sub3A_104, %eq3A_105 : vector<416x40xi32>
    %jit3A_107 = arith.constant 1.000000e+00 : f32
    %jit3A_108 = arith.constant 0.000000e+00 : f32
    %broadcast_in_dim3A_109 = vector.broadcast %jit3A_107 : f32 to vector<416x40xf32>
    %broadcast_in_dim3A_110 = vector.broadcast %jit3A_108 : f32 to vector<416x40xf32>
    %select_n3A_111 = arith.select %eq3A_106, %broadcast_in_dim3A_109, %broadcast_in_dim3A_110 : vector<416x40xi1>, vector<416x40xf32>
    %select_n3A_112 = arith.select %lt3A_91, %select_n3A_101, %select_n3A_111 : vector<416x40xi1>, vector<416x40xf32>
    %select_n3A_113 = arith.select %lt3A_78, %select_n3A_88, %select_n3A_112 : vector<416x40xi1>, vector<416x40xf32>
    %select_n3A_114 = arith.select %lt3A_63, %select_n3A_75, %select_n3A_113 : vector<416x40xi1>, vector<416x40xf32>
    %get3A_115 = arith.constant 0 : index
    %get3A_116 = arith.constant 0 : index
    %get3A_117 = vector.load %arg4[%get3A_115, %get3A_116] : memref<40x1024xf32, #tpu.memory_space<vmem>>, vector<40x1024xf32>
    %dot_general3A_118 = arith.constant dense<0.000000e+00> : vector<416x1024xf32>
    %dot_general3A_119 = tpu.matmul %select_n3A_114, %get3A_117, %dot_general3A_118 {dimension_numbers = #tpu.dot_dimension_numbers<[1], [0], [0], [1], [0, 0, 1, 1], [], []>, transpose_lhs_hint = false} : vector<416x40xf32>, vector<40x1024xf32>, vector<416x1024xf32> -> vector<416x1024xf32>
    %add3A = arith.addf %dot_general3A_60, %dot_general3A_119 : vector<416x1024xf32>
    %get3A_120 = arith.constant 0 : index
    %get3A_121 = arith.constant 0 : index
    %get3A_122 = arith.constant 0 : index
    %get3A_123 = vector.load %arg5[%get3A_120, %get3A_121, %get3A_122] : memref<2x416x1024xf32, #tpu.memory_space<vmem>>, vector<1x416x1024xf32>
    %get3A_124 = vector.shape_cast %get3A_123 : vector<1x416x1024xf32> to vector<416x1024xf32>
    %add3A_125 = arith.addf %add3A, %get3A_124 : vector<416x1024xf32>
    %iota3A_126 = tpu.iota {dimensions = array<i32: 0>} : vector<416x1024xi32>
    %eq3A_127 = arith.constant 0 : i32
    %eq3A_128 = vector.broadcast %eq3A_127 : i32 to vector<416x1024xi32>
    %eq3A_129 = arith.cmpi eq, %iota3A_126, %eq3A_128 : vector<416x1024xi32>
    %eq3A_130 = arith.constant 0 : i32
    %eq3A_131 = arith.cmpi eq, %arg0, %eq3A_130 : i32
    %and3A_132 = vector.broadcast %eq3A_131 : i1 to vector<416x1024xi1>
    %and3A_133 = arith.andi %eq3A_129, %and3A_132 : vector<416x1024xi1>
    %get3A_134 = arith.constant 0 : index
    %get3A_135 = arith.constant 0 : index
    %get3A_136 = vector.load %arg6[%get3A_134, %get3A_135] : memref<1x1024xf32, #tpu.memory_space<vmem>>, vector<1x1024xf32>
    %broadcast_in_dim3A_137 = vector.shape_cast %get3A_136 : vector<1x1024xf32> to vector<1x1024xf32>
    %broadcast_in_dim3A_138 = vector.broadcast %broadcast_in_dim3A_137 : vector<1x1024xf32> to vector<416x1024xf32>
    %select_n3A_139 = arith.select %and3A_133, %broadcast_in_dim3A_138, %add3A_125 : vector<416x1024xi1>, vector<416x1024xf32>
    %get3A_140 = arith.constant 1 : index
    %get3A_141 = arith.constant 0 : index
    %get3A_142 = arith.constant 0 : index
    %get3A_143 = vector.load %arg2[%get3A_140, %get3A_141, %get3A_142] : memref<2x416x1xi32, #tpu.memory_space<vmem>>, vector<1x416x1xi32>
    %get3A_144 = vector.shape_cast %get3A_143 : vector<1x416x1xi32> to vector<416x1xi32>
    %and3A_145 = arith.constant 15 : i32
    %and3A_146 = vector.broadcast %and3A_145 : i32 to vector<416x1xi32>
    %and3A_147 = arith.andi %get3A_144, %and3A_146 : vector<416x1xi32>
    %shift_right_arithmetic3A_148 = arith.constant 4 : i32
    %shift_right_arithmetic3A_149 = vector.broadcast %shift_right_arithmetic3A_148 : i32 to vector<416x1xi32>
    %shift_right_arithmetic3A_150 = arith.shrsi %get3A_144, %shift_right_arithmetic3A_149 : vector<416x1xi32>
    %and3A_151 = arith.constant 3 : i32
    %and3A_152 = vector.broadcast %and3A_151 : i32 to vector<416x1xi32>
    %and3A_153 = arith.andi %shift_right_arithmetic3A_150, %and3A_152 : vector<416x1xi32>
    %shift_right_arithmetic3A_154 = arith.constant 6 : i32
    %shift_right_arithmetic3A_155 = vector.broadcast %shift_right_arithmetic3A_154 : i32 to vector<416x1xi32>
    %shift_right_arithmetic3A_156 = arith.shrsi %get3A_144, %shift_right_arithmetic3A_155 : vector<416x1xi32>
    %and3A_157 = arith.constant 3 : i32
    %and3A_158 = vector.broadcast %and3A_157 : i32 to vector<416x1xi32>
    %and3A_159 = arith.andi %shift_right_arithmetic3A_156, %and3A_158 : vector<416x1xi32>
    %shift_right_arithmetic3A_160 = arith.constant 8 : i32
    %shift_right_arithmetic3A_161 = vector.broadcast %shift_right_arithmetic3A_160 : i32 to vector<416x1xi32>
    %shift_right_arithmetic3A_162 = arith.shrsi %get3A_144, %shift_right_arithmetic3A_161 : vector<416x1xi32>
    %get3A_163 = arith.constant 1 : index
    %get3A_164 = arith.constant 0 : index
    %get3A_165 = arith.constant 0 : index
    %get3A_166 = vector.load %arg1[%get3A_163, %get3A_164, %get3A_165] : memref<2x416x64xbf16, #tpu.memory_space<vmem>>, vector<1x416x64xbf16>
    %get3A_167 = vector.shape_cast %get3A_166 : vector<1x416x64xbf16> to vector<416x64xbf16>
    %concatenate3A_168 = tpu.concatenate %get3A_167, %get3A_167, %get3A_167, %get3A_167, %get3A_167, %get3A_167, %get3A_167, %get3A_167, %get3A_167, %get3A_167, %get3A_167, %get3A_167, %get3A_167, %get3A_167, %get3A_167, %get3A_167 in 1 : vector<416x64xbf16>, vector<416x64xbf16>, vector<416x64xbf16>, vector<416x64xbf16>, vector<416x64xbf16>, vector<416x64xbf16>, vector<416x64xbf16>, vector<416x64xbf16>, vector<416x64xbf16>, vector<416x64xbf16>, vector<416x64xbf16>, vector<416x64xbf16>, vector<416x64xbf16>, vector<416x64xbf16>, vector<416x64xbf16>, vector<416x64xbf16> -> vector<416x1024xbf16>
    %iota3A_169 = tpu.iota {dimensions = array<i32: 1>} : vector<416x1024xi32>
    %jit3A_170 = arith.constant 64 : i32
    %div3A_171 = vector.broadcast %jit3A_170 : i32 to vector<416x1024xi32>
    %div3A_172 = arith.divsi %iota3A_169, %div3A_171 : vector<416x1024xi32>
    %sign3A_173 = arith.constant 0 : i32
    %sign3A_174 = vector.broadcast %sign3A_173 : i32 to vector<416x1024xi32>
    %sign3A_175 = arith.cmpi sgt, %iota3A_169, %sign3A_174 : vector<416x1024xi32>
    %sign3A_176 = arith.extui %sign3A_175 : vector<416x1024xi1> to vector<416x1024xi32>
    %sign3A_177 = arith.constant 0 : i32
    %sign3A_178 = vector.broadcast %sign3A_177 : i32 to vector<416x1024xi32>
    %sign3A_179 = arith.cmpi slt, %iota3A_169, %sign3A_178 : vector<416x1024xi32>
    %sign3A_180 = arith.extui %sign3A_179 : vector<416x1024xi1> to vector<416x1024xi32>
    %sign3A_181 = arith.subi %sign3A_176, %sign3A_180 : vector<416x1024xi32>
    %sign3A_182 = arith.constant 0 : i32
    %sign3A_183 = arith.cmpi sgt, %jit3A_170, %sign3A_182 : i32
    %sign3A_184 = arith.extui %sign3A_183 : i1 to i32
    %sign3A_185 = arith.constant 0 : i32
    %sign3A_186 = arith.cmpi slt, %jit3A_170, %sign3A_185 : i32
    %sign3A_187 = arith.extui %sign3A_186 : i1 to i32
    %sign3A_188 = arith.subi %sign3A_184, %sign3A_187 : i32
    %ne3A_189 = vector.broadcast %sign3A_188 : i32 to vector<416x1024xi32>
    %ne3A_190 = arith.cmpi ne, %sign3A_181, %ne3A_189 : vector<416x1024xi32>
    %rem3A_191 = vector.broadcast %jit3A_170 : i32 to vector<416x1024xi32>
    %rem3A_192 = arith.remsi %iota3A_169, %rem3A_191 : vector<416x1024xi32>
    %ne3A_193 = arith.constant 0 : i32
    %ne3A_194 = vector.broadcast %ne3A_193 : i32 to vector<416x1024xi32>
    %ne3A_195 = arith.cmpi ne, %rem3A_192, %ne3A_194 : vector<416x1024xi32>
    %and3A_196 = arith.andi %ne3A_190, %ne3A_195 : vector<416x1024xi1>
    %sub3A_197 = arith.constant 1 : i32
    %sub3A_198 = vector.broadcast %sub3A_197 : i32 to vector<416x1024xi32>
    %sub3A_199 = arith.subi %div3A_172, %sub3A_198 : vector<416x1024xi32>
    %select_n3A_200 = arith.select %and3A_196, %sub3A_199, %div3A_172 : vector<416x1024xi1>, vector<416x1024xi32>
    %eq3A_201 = vector.broadcast %and3A_147 : vector<416x1xi32> to vector<416x1024xi32>
    %eq3A_202 = arith.cmpi eq, %select_n3A_200, %eq3A_201 : vector<416x1024xi32>
    %ne3A_203 = arith.constant 0 : i32
    %ne3A_204 = vector.broadcast %ne3A_203 : i32 to vector<416x1xi32>
    %ne3A_205 = arith.cmpi ne, %shift_right_arithmetic3A_162, %ne3A_204 : vector<416x1xi32>
    %and3A_206 = vector.broadcast %ne3A_205 : vector<416x1xi1> to vector<416x1024xi1>
    %and3A_207 = arith.andi %eq3A_202, %and3A_206 : vector<416x1024xi1>
    %jit3A_208 = arith.constant 0.000000e+00 : bf16
    %broadcast_in_dim3A_209 = vector.broadcast %jit3A_208 : bf16 to vector<416x1024xbf16>
    %select_n3A_210 = arith.select %and3A_207, %concatenate3A_168, %broadcast_in_dim3A_209 : vector<416x1024xi1>, vector<416x1024xbf16>
    %get3A_211 = arith.constant 0 : index
    %get3A_212 = arith.constant 0 : index
    %get3A_213 = vector.load %arg3[%get3A_211, %get3A_212] : memref<1024x1024xbf16, #tpu.memory_space<vmem>>, vector<1024x1024xbf16>
    %dot_general3A_214 = arith.constant dense<0.000000e+00> : vector<416x1024xf32>
    %dot_general3A_215 = tpu.matmul %select_n3A_210, %get3A_213, %dot_general3A_214 {dimension_numbers = #tpu.dot_dimension_numbers<[1], [0], [0], [1], [0, 0, 1, 1], [], []>, transpose_lhs_hint = false} : vector<416x1024xbf16>, vector<1024x1024xbf16>, vector<416x1024xf32> -> vector<416x1024xf32>
    %iota3A_216 = tpu.iota {dimensions = array<i32: 1>} : vector<416x40xi32>
    %lt3A_217 = arith.constant 16 : i32
    %lt3A_218 = vector.broadcast %lt3A_217 : i32 to vector<416x40xi32>
    %lt3A_219 = arith.cmpi slt, %iota3A_216, %lt3A_218 : vector<416x40xi32>
    %eq3A_220 = vector.broadcast %and3A_147 : vector<416x1xi32> to vector<416x40xi32>
    %eq3A_221 = arith.cmpi eq, %iota3A_216, %eq3A_220 : vector<416x40xi32>
    %ne3A_222 = arith.constant 0 : i32
    %ne3A_223 = vector.broadcast %ne3A_222 : i32 to vector<416x1xi32>
    %ne3A_224 = arith.cmpi ne, %shift_right_arithmetic3A_162, %ne3A_223 : vector<416x1xi32>
    %and3A_225 = vector.broadcast %ne3A_224 : vector<416x1xi1> to vector<416x40xi1>
    %and3A_226 = arith.andi %eq3A_221, %and3A_225 : vector<416x40xi1>
    %jit3A_227 = arith.constant 1.000000e+00 : f32
    %jit3A_228 = arith.constant 0.000000e+00 : f32
    %broadcast_in_dim3A_229 = vector.broadcast %jit3A_227 : f32 to vector<416x40xf32>
    %broadcast_in_dim3A_230 = vector.broadcast %jit3A_228 : f32 to vector<416x40xf32>
    %select_n3A_231 = arith.select %and3A_226, %broadcast_in_dim3A_229, %broadcast_in_dim3A_230 : vector<416x40xi1>, vector<416x40xf32>
    %lt3A_232 = arith.constant 32 : i32
    %lt3A_233 = vector.broadcast %lt3A_232 : i32 to vector<416x40xi32>
    %lt3A_234 = arith.cmpi slt, %iota3A_216, %lt3A_233 : vector<416x40xi32>
    %sub3A_235 = arith.constant 16 : i32
    %sub3A_236 = vector.broadcast %sub3A_235 : i32 to vector<416x40xi32>
    %sub3A_237 = arith.subi %iota3A_216, %sub3A_236 : vector<416x40xi32>
    %eq3A_238 = vector.broadcast %and3A_147 : vector<416x1xi32> to vector<416x40xi32>
    %eq3A_239 = arith.cmpi eq, %sub3A_237, %eq3A_238 : vector<416x40xi32>
    %jit3A_240 = arith.constant 1.000000e+00 : f32
    %jit3A_241 = arith.constant 0.000000e+00 : f32
    %broadcast_in_dim3A_242 = vector.broadcast %jit3A_240 : f32 to vector<416x40xf32>
    %broadcast_in_dim3A_243 = vector.broadcast %jit3A_241 : f32 to vector<416x40xf32>
    %select_n3A_244 = arith.select %eq3A_239, %broadcast_in_dim3A_242, %broadcast_in_dim3A_243 : vector<416x40xi1>, vector<416x40xf32>
    %lt3A_245 = arith.constant 36 : i32
    %lt3A_246 = vector.broadcast %lt3A_245 : i32 to vector<416x40xi32>
    %lt3A_247 = arith.cmpi slt, %iota3A_216, %lt3A_246 : vector<416x40xi32>
    %sub3A_248 = arith.constant 32 : i32
    %sub3A_249 = vector.broadcast %sub3A_248 : i32 to vector<416x40xi32>
    %sub3A_250 = arith.subi %iota3A_216, %sub3A_249 : vector<416x40xi32>
    %eq3A_251 = vector.broadcast %and3A_153 : vector<416x1xi32> to vector<416x40xi32>
    %eq3A_252 = arith.cmpi eq, %sub3A_250, %eq3A_251 : vector<416x40xi32>
    %jit3A_253 = arith.constant 1.000000e+00 : f32
    %jit3A_254 = arith.constant 0.000000e+00 : f32
    %broadcast_in_dim3A_255 = vector.broadcast %jit3A_253 : f32 to vector<416x40xf32>
    %broadcast_in_dim3A_256 = vector.broadcast %jit3A_254 : f32 to vector<416x40xf32>
    %select_n3A_257 = arith.select %eq3A_252, %broadcast_in_dim3A_255, %broadcast_in_dim3A_256 : vector<416x40xi1>, vector<416x40xf32>
    %sub3A_258 = arith.constant 36 : i32
    %sub3A_259 = vector.broadcast %sub3A_258 : i32 to vector<416x40xi32>
    %sub3A_260 = arith.subi %iota3A_216, %sub3A_259 : vector<416x40xi32>
    %eq3A_261 = vector.broadcast %and3A_159 : vector<416x1xi32> to vector<416x40xi32>
    %eq3A_262 = arith.cmpi eq, %sub3A_260, %eq3A_261 : vector<416x40xi32>
    %jit3A_263 = arith.constant 1.000000e+00 : f32
    %jit3A_264 = arith.constant 0.000000e+00 : f32
    %broadcast_in_dim3A_265 = vector.broadcast %jit3A_263 : f32 to vector<416x40xf32>
    %broadcast_in_dim3A_266 = vector.broadcast %jit3A_264 : f32 to vector<416x40xf32>
    %select_n3A_267 = arith.select %eq3A_262, %broadcast_in_dim3A_265, %broadcast_in_dim3A_266 : vector<416x40xi1>, vector<416x40xf32>
    %select_n3A_268 = arith.select %lt3A_247, %select_n3A_257, %select_n3A_267 : vector<416x40xi1>, vector<416x40xf32>
    %select_n3A_269 = arith.select %lt3A_234, %select_n3A_244, %select_n3A_268 : vector<416x40xi1>, vector<416x40xf32>
    %select_n3A_270 = arith.select %lt3A_219, %select_n3A_231, %select_n3A_269 : vector<416x40xi1>, vector<416x40xf32>
    %get3A_271 = arith.constant 0 : index
    %get3A_272 = arith.constant 0 : index
    %get3A_273 = vector.load %arg4[%get3A_271, %get3A_272] : memref<40x1024xf32, #tpu.memory_space<vmem>>, vector<40x1024xf32>
    %dot_general3A_274 = arith.constant dense<0.000000e+00> : vector<416x1024xf32>
    %dot_general3A_275 = tpu.matmul %select_n3A_270, %get3A_273, %dot_general3A_274 {dimension_numbers = #tpu.dot_dimension_numbers<[1], [0], [0], [1], [0, 0, 1, 1], [], []>, transpose_lhs_hint = false} : vector<416x40xf32>, vector<40x1024xf32>, vector<416x1024xf32> -> vector<416x1024xf32>
    %add3A_276 = arith.addf %dot_general3A_215, %dot_general3A_275 : vector<416x1024xf32>
    %get3A_277 = arith.constant 1 : index
    %get3A_278 = arith.constant 0 : index
    %get3A_279 = arith.constant 0 : index
    %get3A_280 = vector.load %arg5[%get3A_277, %get3A_278, %get3A_279] : memref<2x416x1024xf32, #tpu.memory_space<vmem>>, vector<1x416x1024xf32>
    %get3A_281 = vector.shape_cast %get3A_280 : vector<1x416x1024xf32> to vector<416x1024xf32>
    %add3A_282 = arith.addf %add3A_276, %get3A_281 : vector<416x1024xf32>
    %iota3A_283 = tpu.iota {dimensions = array<i32: 0>} : vector<416x1024xi32>
    %eq3A_284 = arith.constant 0 : i32
    %eq3A_285 = vector.broadcast %eq3A_284 : i32 to vector<416x1024xi32>
    %eq3A_286 = arith.cmpi eq, %iota3A_283, %eq3A_285 : vector<416x1024xi32>
    %eq3A_287 = arith.constant 0 : i32
    %eq3A_288 = arith.cmpi eq, %arg0, %eq3A_287 : i32
    %and3A_289 = vector.broadcast %eq3A_288 : i1 to vector<416x1024xi1>
    %and3A_290 = arith.andi %eq3A_286, %and3A_289 : vector<416x1024xi1>
    %get3A_291 = arith.constant 0 : index
    %get3A_292 = arith.constant 0 : index
    %get3A_293 = vector.load %arg6[%get3A_291, %get3A_292] : memref<1x1024xf32, #tpu.memory_space<vmem>>, vector<1x1024xf32>
    %broadcast_in_dim3A_294 = vector.shape_cast %get3A_293 : vector<1x1024xf32> to vector<1x1024xf32>
    %broadcast_in_dim3A_295 = vector.broadcast %broadcast_in_dim3A_294 : vector<1x1024xf32> to vector<416x1024xf32>
    %select_n3A_296 = arith.select %and3A_290, %broadcast_in_dim3A_295, %add3A_282 : vector<416x1024xi1>, vector<416x1024xf32>
    %slice3A = vector.extract_strided_slice %select_n3A_139 {offsets = [0, 0], sizes = [416, 128], strides = [1, 1]} : vector<416x1024xf32> to vector<416x128xf32>
    %slice3A_297 = vector.extract_strided_slice %select_n3A_296 {offsets = [0, 0], sizes = [416, 128], strides = [1, 1]} : vector<416x1024xf32> to vector<416x128xf32>
    %slice3A_298 = vector.extract_strided_slice %select_n3A_139 {offsets = [0, 128], sizes = [416, 128], strides = [1, 1]} : vector<416x1024xf32> to vector<416x128xf32>
    %slice3A_299 = vector.extract_strided_slice %select_n3A_296 {offsets = [0, 128], sizes = [416, 128], strides = [1, 1]} : vector<416x1024xf32> to vector<416x128xf32>
    %slice3A_300 = vector.extract_strided_slice %select_n3A_139 {offsets = [0, 256], sizes = [416, 128], strides = [1, 1]} : vector<416x1024xf32> to vector<416x128xf32>
    %slice3A_301 = vector.extract_strided_slice %select_n3A_296 {offsets = [0, 256], sizes = [416, 128], strides = [1, 1]} : vector<416x1024xf32> to vector<416x128xf32>
    %slice3A_302 = vector.extract_strided_slice %select_n3A_139 {offsets = [0, 384], sizes = [416, 128], strides = [1, 1]} : vector<416x1024xf32> to vector<416x128xf32>
    %slice3A_303 = vector.extract_strided_slice %select_n3A_296 {offsets = [0, 384], sizes = [416, 128], strides = [1, 1]} : vector<416x1024xf32> to vector<416x128xf32>
    %slice3A_304 = vector.extract_strided_slice %select_n3A_139 {offsets = [0, 512], sizes = [416, 128], strides = [1, 1]} : vector<416x1024xf32> to vector<416x128xf32>
    %slice3A_305 = vector.extract_strided_slice %select_n3A_296 {offsets = [0, 512], sizes = [416, 128], strides = [1, 1]} : vector<416x1024xf32> to vector<416x128xf32>
    %slice3A_306 = vector.extract_strided_slice %select_n3A_139 {offsets = [0, 640], sizes = [416, 128], strides = [1, 1]} : vector<416x1024xf32> to vector<416x128xf32>
    %slice3A_307 = vector.extract_strided_slice %select_n3A_296 {offsets = [0, 640], sizes = [416, 128], strides = [1, 1]} : vector<416x1024xf32> to vector<416x128xf32>
    %slice3A_308 = vector.extract_strided_slice %select_n3A_139 {offsets = [0, 768], sizes = [416, 128], strides = [1, 1]} : vector<416x1024xf32> to vector<416x128xf32>
    %slice3A_309 = vector.extract_strided_slice %select_n3A_296 {offsets = [0, 768], sizes = [416, 128], strides = [1, 1]} : vector<416x1024xf32> to vector<416x128xf32>
    %slice3A_310 = vector.extract_strided_slice %select_n3A_139 {offsets = [0, 896], sizes = [416, 128], strides = [1, 1]} : vector<416x1024xf32> to vector<416x128xf32>
    %slice3A_311 = vector.extract_strided_slice %select_n3A_296 {offsets = [0, 896], sizes = [416, 128], strides = [1, 1]} : vector<416x1024xf32> to vector<416x128xf32>
    %concatenate3A_312 = tpu.concatenate %slice3A, %slice3A_297, %slice3A_298, %slice3A_299, %slice3A_300, %slice3A_301, %slice3A_302, %slice3A_303, %slice3A_304, %slice3A_305, %slice3A_306, %slice3A_307, %slice3A_308, %slice3A_309, %slice3A_310, %slice3A_311 in 1 : vector<416x128xf32>, vector<416x128xf32>, vector<416x128xf32>, vector<416x128xf32>, vector<416x128xf32>, vector<416x128xf32>, vector<416x128xf32>, vector<416x128xf32>, vector<416x128xf32>, vector<416x128xf32>, vector<416x128xf32>, vector<416x128xf32>, vector<416x128xf32>, vector<416x128xf32>, vector<416x128xf32>, vector<416x128xf32> -> vector<416x2048xf32>
    %reshape3A = vector.shape_cast %concatenate3A_312 : vector<416x2048xf32> to vector<6656x128xf32>
    %swap3A = arith.constant 0 : index
    %swap3A_313 = arith.constant 0 : index
    %swap3A_314 = vector.load %arg7[%swap3A, %swap3A_313] : memref<6656x128xf32, #tpu.memory_space<vmem>>, vector<6656x128xf32>
    tpu.vector_store %arg7[%swap3A, %swap3A_313], %reshape3A {strides = array<i32>} : memref<6656x128xf32, #tpu.memory_space<vmem>>, vector<6656x128xf32>,
    return
  }
  func.func @transform_0(%arg0: i32) -> (i32, i32, i32) {
    %c0_i32 = arith.constant 0 : i32
    %c0_i32_0 = arith.constant 0 : i32
    %c0_i32_1 = arith.constant 0 : i32
    return %c0_i32, %arg0, %c0_i32_0 : i32, i32, i32
  }
  func.func @transform_1(%arg0: i32) -> (i32, i32, i32) {
    %c0_i32 = arith.constant 0 : i32
    %c0_i32_0 = arith.constant 0 : i32
    %c0_i32_1 = arith.constant 0 : i32
    return %c0_i32, %arg0, %c0_i32_0 : i32, i32, i32
  }
  func.func @transform_2(%arg0: i32) -> (i32, i32) {
    %c0_i32 = arith.constant 0 : i32
    %c0_i32_0 = arith.constant 0 : i32
    %c0_i32_1 = arith.constant 0 : i32
    return %c0_i32, %c0_i32_0 : i32, i32
  }
  func.func @transform_3(%arg0: i32) -> (i32, i32) {
    %c0_i32 = arith.constant 0 : i32
    %c0_i32_0 = arith.constant 0 : i32
    %c0_i32_1 = arith.constant 0 : i32
    return %c0_i32, %c0_i32_0 : i32, i32
  }
  func.func @transform_4(%arg0: i32) -> (i32, i32, i32) {
    %c0_i32 = arith.constant 0 : i32
    %c0_i32_0 = arith.constant 0 : i32
    %c0_i32_1 = arith.constant 0 : i32
    return %c0_i32, %arg0, %c0_i32_0 : i32, i32, i32
  }
  func.func @transform_5(%arg0: i32) -> (i32, i32) {
    %c0_i32 = arith.constant 0 : i32
    %c0_i32_0 = arith.constant 0 : i32
    %c0_i32_1 = arith.constant 0 : i32
    return %c0_i32, %c0_i32_0 : i32, i32
  }
  func.func @transform_6(%arg0: i32) -> (i32, i32) {
    %c0_i32 = arith.constant 0 : i32
    %c0_i32_0 = arith.constant 0 : i32
    return %arg0, %c0_i32 : i32, i32
  }
}

</mosaic_0001>

<sc_bundles>
// kernel: kernel.4.cloned.1.call-start
scs
__scs_entry_jumppad:
0x0: {  	(pc) =	sbr.rel $0x88, $3  }
0x1: {  	(tag) =	ssettag $0x0;
	lr =	simm.s32 $0x1  }
0x2: {  	[smem:$0x3F94] =	sst lr;
	_ =	strace $0xD0000000  }
0x3: {  	_ = 	snop  }
0x4: {  	_ = 	snop  }
0x5: {  	_ = 	snop  }
0x6: {  	_ = 	snop  }
0x7: {  	_ = 	snop  }
__scs_overlays_trampoline_lowered:
0x8: {  	[smem:$0x3FA3] =	sst s0  }
0x9: {  	[smem:$0x3FA4] =	sst s1  }
0xa: {  	[smem:$0x3FA5] =	sst s2  }
0xb: {  	[smem:$0x3FA6] =	sst s3  }
0xc: {  	[smem:$0x3FA7] =	sst s4  }
0xd: {  	[smem:$0x3FA8] =	sst s5  }
0xe: {  	[smem:$0x3FA9] =	sst s6  }
0xf: {  	[smem:$0x3FAA] =	sst s7  }
0x10: {  	[smem:$0x3FAB] =	sst s8  }
0x11: {  	[smem:$0x3FAC] =	sst s9;
	s0 =	simm.s32 @!p0 $0x0  }
0x12: {  	s1 =	sld [smem:$0x3F92];
	s0 =	simm.s32 @p0 $0x1  }
0x13: {  	[smem:$0x3FAD] =	sst s0;
	s0 =	simm.s32 @!p1 $0x0  }
0x14: {  	s2 =	sld [smem:$0x3F91];
	s0 =	simm.s32 @p1 $0x1  }
0x15: {  	[smem:$0x3FAE] =	sst s0;
	s0 =	simm.s32 @!p2 $0x0  }
0x16: {  	s3 =	sld [smem:$0x3FDB];
	s0 =	simm.s32 @p2 $0x1  }
0x17: {  	s4 =	simm.s32 $0x1BF5;
	[smem:$0x3FB0] =	sst s0  }
0x18: {  	s0 =	sld [smem:$0x3F93];
	_ =	swait.ge [sflag:s4], $0x0  }
0x19: {  	s7 =	sld [smem:$0x3F94]  }
0x1a: {  	s8 =	sadd.s32 $0xFFFFE003, lr  }
0x1b: {  	s9 =	sadd.s32 $0xFFFFFEF7, lr;
	s5 =	simm.s32 $0xFFFFFFFF;
	p2 =	slt.u32 s8, $0xFFFFF086  }
0x1c: {  	p1 =	slt.u32 s9, $0xF7A;
	s5 =	simm.s32 @!p2 $0x0  }
0x1d: {  	s5 =	simm.s32 @p1 $0x1;
	p0 =	seq.s32 s7, s2  }
0x1e: {  	s7 =	smul.u32 @!p0 $0xF7A, s2;
	p2 =	seq.s32 @!p0 s5, $0x0  }
0x1f: {  	s9 =	smul.u32 $0xF7A, s1;
	s8 =	simm.s32 @!p0 $0x1BF5;
	p2 =	por !p2, p0  }
0x20: {  	[sflag:s8] =	ssyncset.s32 @!p0 $0xFFFFF086;
	s6 =	sadd.s32 @!p0 s3, s7;
	s7 =	simm.s32 @!p0 $0x108  }
0x21: {  	s3 =	sadd.s32 s3, s9;
	s6 =	sadd.s32 @!p0 $0x88, s6;
	s7 =	simm.s32 @p2 $0x1082  }
0x22: {  	[simem:s7], [sflag:s8] =	dma.local @!p0 [hbm:s6], $0xF7A  }
0x23: {  	s9 =	sor.u32 $0xD0000000, s2;
	s6 =	simm.s32 $0x108;
	_ =	swait.ge @!p0 [sflag:s8], $0x0  }
0x24: {  	s3 =	sadd.s32 $0x88, s3;
	s6 =	simm.s32 @!p1 $0x1082;
	[sflag:s4] =	ssyncset.s32 $0xFFFFF086  }
0x25: {  	[simem:s6], [sflag:s4] =	dma.local [hbm:s3], $0xF7A  }
0x26: {  	[smem:$0x3F94] =	sst s1;
	(tag) =	ssettag s2;
	_ =	strace s9  }
0x27: {  	s1 =	sld [smem:$0x3FA4]  }
0x28: {  	s2 =	sld [smem:$0x3FA5]  }
0x29: {  	s4 =	sld [smem:$0x3FA7]  }
0x2a: {  	p0 =	seq.s32 s5, $0x0;
	s5 =	sld [smem:$0x3FA8]  }
0x2b: {  	s6 =	sld [smem:$0x3FA9]  }
0x2c: {  	s7 =	sld [smem:$0x3FAA]  }
0x2d: {  	s3 =	simm.s32 $0x108;
	s8 =	sld [smem:$0x3FAB]  }
0x2e: {  	s3 =	simm.s32 @!p0 $0x1082;
	s9 =	sld [smem:$0x3FAC]  }
0x2f: {  	lr =	sadd.s32 s0, s3;
	s0 =	sld [smem:$0x3FA3]  }
0x30: {  	s3 =	sld [smem:$0x3FA6]  }
0x31: {  	[smem:$0x3FAF] =	sst s10  }
0x32: {  	s10 =	sld [smem:$0x3FAD];
	_ =	sdelay $0x3  }
0x33: {  	p0 =	seq.s32 s10, $0x1;
	s10 =	sld [smem:$0x3FAF];
	_ =	sdelay $0x3  }
0x34: {  	[smem:$0x3FAF] =	sst s10  }
0x35: {  	s10 =	sld [smem:$0x3FAE];
	_ =	sdelay $0x3  }
0x36: {  	p1 =	seq.s32 s10, $0x1;
	s10 =	sld [smem:$0x3FAF];
	_ =	sdelay $0x3  }
0x37: {  	[smem:$0x3FAF] =	sst s10  }
0x38: {  	s10 =	sld [smem:$0x3FB0]  }
0x39: {  	_ = 	snop;
	(pc) =	sbr.ind lr, $3  }
0x3a: {  	_ = 	snop  }
0x3b: {  	_ = 	snop  }
0x3c: {  	p2 =	seq.s32 s10, $0x1;
	s10 =	sld [smem:$0x3FAF]  }
0x3d: {  	_ =	shalt  }
0x3e: {  	_ =	shalt  }
0x3f: {  	_ =	shalt  }
0x40: {  	_ =	shalt  }
0x41: {  	_ =	shalt  }
0x42: {  	_ =	shalt  }
0x43: {  	_ =	shalt  }
0x44: {  	_ =	shalt  }
0x45: {  	_ =	shalt  }
0x46: {  	_ =	shalt  }
0x47: {  	_ =	shalt  }
0x48: {  	_ =	shalt  }
0x49: {  	_ =	shalt  }
0x4a: {  	_ =	shalt  }
0x4b: {  	_ =	shalt  }
0x4c: {  	_ =	shalt  }
0x4d: {  	_ =	shalt  }
0x4e: {  	_ =	shalt  }
0x4f: {  	_ =	shalt  }
0x50: {  	_ =	shalt  }
0x51: {  	_ =	shalt  }
0x52: {  	_ =	shalt  }
0x53: {  	_ =	shalt  }
0x54: {  	_ =	shalt  }
0x55: {  	_ =	shalt  }
0x56: {  	_ =	shalt  }
0x57: {  	_ =	shalt  }
0x58: {  	_ =	shalt  }
0x59: {  	_ =	shalt  }
0x5a: {  	_ =	shalt  }
0x5b: {  	_ =	shalt  }
0x5c: {  	_ =	shalt  }
0x5d: {  	_ =	shalt  }
0x5e: {  	_ =	shalt  }
0x5f: {  	_ =	shalt  }
0x60: {  	_ =	shalt  }
0x61: {  	_ =	shalt  }
0x62: {  	_ =	shalt  }
0x63: {  	_ =	shalt  }
0x64: {  	_ =	shalt  }
0x65: {  	_ =	shalt  }
0x66: {  	_ =	shalt  }
0x67: {  	_ =	shalt  }
0x68: {  	_ =	shalt  }
0x69: {  	_ =	shalt  }
0x6a: {  	_ =	shalt  }
0x6b: {  	_ =	shalt  }
0x6c: {  	_ =	shalt  }
0x6d: {  	_ =	shalt  }
0x6e: {  	_ =	shalt  }
0x6f: {  	_ =	shalt  }
0x70: {  	_ =	shalt  }
0x71: {  	_ =	shalt  }
0x72: {  	_ =	shalt  }
0x73: {  	_ =	shalt  }
0x74: {  	_ =	shalt  }
0x75: {  	_ =	shalt  }
0x76: {  	_ =	shalt  }
0x77: {  	_ =	shalt  }
0x78: {  	_ =	shalt  }
0x79: {  	_ =	shalt  }
0x7a: {  	_ =	shalt  }
0x7b: {  	_ =	shalt  }
0x7c: {  	_ =	shalt  }
0x7d: {  	_ =	shalt  }
0x7e: {  	_ =	shalt  }
0x7f: {  	_ =	shalt  }
0x80: {  	_ =	shalt  }
0x81: {  	_ =	shalt  }
0x82: {  	_ =	shalt  }
0x83: {  	_ =	shalt  }
0x84: {  	_ =	shalt  }
0x85: {  	_ =	shalt  }
0x86: {  	_ =	shalt  }
0x87: {  	_ =	shalt  }
.Lfunc_end0:
.L_simem_size_0:
called_computation_lowered:
.L_overlay_start_0:
0x88: {  	s2 =	sld [smem:$0x3FD9]  }
0x89: {  	s3 =	sld [smem:$0x3FFE];
	_ =	sdelay $0x1  }
0x8a: {  	s1 =	srdreg.scid  }
0x8b: {  	s0 =	sand.u32 $0x1, s1  }
0x8c: {  	s14 =	sshll.u32 s0, $0xA;
	s2 =	sadd.s32 s3, s2  }
0x8d: {  	s2 =	sadd.s32 s2, s14  }
0x8e: {  	[smem:$0x3FBB] =	sst s2  }
0x8f: {  	_ = 	snop  }
0x90: {  	s2 =	sld [smem:$0x3FD0];
	_ =	sdelay $0x2  }
0x91: {  	s4 =	simm.s32 $0xA;
	s5 =	simm.s32 $0x10;
	s15 =	sld [smem:$0x3FC0]  }
0x92: {  	[smem:s5], [sflag:s4] =	dma.local [hbm:s2], $0x1  }
0x93: {  	_ =	swait.eq [sflag:s4], $0x1  }
0x94: {  	[sflag:s4] =	ssyncset.done $0x0  }
0x95: {  	[sflag:s4] =	ssyncadd.s32 $0xFFFFFFFF  }
0x96: {  	s16 =	sld [smem:$0x10];
	(tm) =	ssettm $0x1  }
0x97: {  	s17 =	sld [smem:$0x3FFB];
	_ =	sdelay $0x3  }
0x98: {  	_ =	strace s17  }
0x99: {  	s4 =	sld [smem:$0x3FFC];
	_ =	sdelay $0x3  }
0x9a: {  	_ =	strace s4  }
0x9b: {  	s4 =	sld [smem:$0x3FFD];
	_ =	sdelay $0x3  }
0x9c: {  	_ =	strace s4  }
0x9d: {  	_ =	strace $0x8FFFFFFF  }
0x9e: {  	s18 =	sld [smem:$0x3FDB];
	_ =	sdelay $0x1  }
0x9f: {  	s19 =	simm.s32 $_scs_section_size  }
0xa0: {  	s6 =	simm.s32 $_size__tile_overlayer_lowered;
	s7 =	simm.s32 $_tile_overlayer_lowered  }
0xa1: {  	s22 =	simm.s32 $0x1BFF;
	s21 =	sshll.u32 s7, $0x1;
	s4 =	sadd.s32 s19, s18  }
0xa2: {  	s8 =	simm.s32 $0x0;
	s20 =	sshll.u32 s6, $0x1;
	s6 =	sadd.s32 s21, s4  }
0xa3: {  	[timem:s8], [sflag:s22] =	dma.local [hbm:s6], s20  }
0xa4: {  	_ =	swait.ge [sflag:s22], s20  }
0xa5: {  	s5 =	ssub.s32 $0x0, s20;
	[sflag:s22] =	ssyncset.done $0x0  }
0xa6: {  	[sflag:s22] =	ssyncadd.s32 s5;
	_ =	sdelay $0x1  }
0xa7: {  	s23 =	simm.s32 $0x1B8B  }
0xa8: {  	_ =	swait.ge [sflag:s23], $0x1  }
0xa9: {  	[sflag:s23] =	ssyncset.done $0x0  }
0xaa: {  	s25 =	simm.s32 $0x1B8E;
	s24 =	sld [smem:$0x3FFE];
	[sflag:s23] =	ssyncadd.s32 $0xFFFFFFFF  }
0xab: {  	s26 =	simm.s32 $execute0_lowered;
	[smem:$0x3FD2] =	sst s25  }
0xac: {  	s6 =	sshll.u32 s26, $0x1;
	_ =	strace $0x80000046;
	[dreg:$0x1] =	wrdreg $0xFFFFFFFF  }
0xad: {  	s28 =	simm.s32 $_size_execute0_lowered;
	s4 =	sadd.s32 s4, s6;
	[dreg:$0x0] =	wrdreg $0x0  }
0xae: {  	s6 =	sshll.u32 s28, $0x1;
	[dreg:$0x2] =	wrdreg s4  }
0xaf: {  	[dreg:$0x3] =	wrdreg s6  }
0xb0: {  	[dreg:$0x4] =	wrdreg $0xC0  }
0xb1: {  	_ =	task [dreg:s8], $0x5FFFF  }
0xb2: {  	[dreg:$0x1] =	wrdreg $0xFFFFFFFF  }
0xb3: {  	[dreg:$0x0] =	wrdreg $0x60  }
0xb4: {  	[dreg:$0x2] =	wrdreg s15  }
0xb5: {  	[dreg:$0x3] =	wrdreg s16  }
0xb6: {  	[dreg:$0x4] =	wrdreg s24  }
0xb7: {  	[dreg:$0x5] =	wrdreg $0x9  }
0xb8: {  	_ =	task.clear_ibuf [dreg:s8], $0x6FFFF;
	_ =	strace $0x90000046  }
0xb9: {  	s29 =	simm.s32 $0x9;
	_ =	strace $0x80000048  }
0xba: {  	_ =	swait.ge [sflag:s29], $0x1  }
0xbb: {  	[sflag:s29] =	ssyncadd.s32 $0xFFFFFFFF  }
0xbc: {  	_ =	strace $0x90000048  }
0xbd: {  	_ =	sfence  }
0xbe: {  	s30 =	sld [smem:$0x0];
	_ =	sdelay $0x2  }
0xbf: {  	s31 =	sshll.u32 s1, $0xD;
	s1 =	sshrl.u32 s1, $0x2  }
0xc0: {  	s3 =	sand.u32 $0x4000, s31;
	s1 =	sadd.s32 s1, s30  }
0xc1: {  	s0 =	sor.u32 s3, s0;
	s1 =	sshll.u32 s1, $0x11  }
0xc2: {  	s0 =	sor.u32 s1, s0  }
0xc3: {  	s0 =	sadd.s32 $0x8F2B, s0  }
0xc4: {  	[sflag:s0] =	ssyncadd.remote.s32 $0x1  }
0xc5: {  	_ =	sfence.sel $0xFFFF  }
0xc6: {  	[dreg:$0x0] =	wrdreg $0xFFFFFFFF;
	(pc) =	sbr.abs _section_cstart, $3  }
0xc7: {  	[dreg:$0x1] =	wrdreg $0xFFFFFFFF  }
0xc8: {  	_ =	task.clear_ibuf [dreg:s8], $0x2FFFF;
	_ =	strace $0x9FFFFFFF  }
0xc9: {  	(tm) =	ssettm $0x7FFFFFFF  }
tec
execute0_lowered:
.L_overlay_start_1:
0x0: {  	(tag) =	ssettag $0x1  }
0x1: {  	s1 =	rddreg [dreg:$0x0]  }
0x2: {  	s0 =	rddreg [dreg:$0x1]  }
0x3: {  	s2 =	rddreg [dreg:$0x2];
	s3 =	simm.s32 $0x0;
	s6 =	stileid.u32  }
0x4: {  	s4 =	srdreg.scid;
	s19 =	simm.s32 $0x100;
	s28 =	simm.s32 $0x3900  }
0x5: {  	s29 =	simm.s32 $0x4100;
	s30 =	simm.s32 $0x4900;
	s31 =	simm.s32 $0x5100  }
0x6: {  	s11 =	simm.s32 $0x7100;
	s12 =	simm.s32 $0x7900;
	s13 =	simm.s32 $0x8100  }
0x7: {  	s14 =	simm.s32 $0x8900;
	s15 =	simm.s32 $0x9100;
	s16 =	simm.s32 $0x9900  }
0x8: {  	s17 =	simm.s32 $0xA100;
	s18 =	simm.s32 $0xA900;
	[smem:$0x7FF] =	sst s3  }
0x9: {  	s5 =	sshll.u32 s6, $0x1;
	s4 =	sand.u32 $0x1, s4;
	s6 =	sshrl.u32 s6, $0x3  }
0xa: {  	s2 =	sadd.s32 $0x2200, s2;
	s5 =	sand.u32 $0xE, s5;
	s23 =	smul.u32 $0x808, s6  }
0xb: {  	_ =	strace $0x80000047;
	s6 =	smul.u32 $0x202000, s6;
	s9 =	sor.u32 s4, s5  }
0xc: {  	s4 =	ssub.s32 $0x2, s4;
	s7 =	sshll.u32 s9, $0x7;
	s8 =	sshll.u32 s9, $0x11  }
0xd: {  	s10 =	sshrl.u32 s4, $0x1;
	s5 =	sshrl.u32 s23, $0x3;
	s25 =	sshrl.u32 s6, $0x3  }
0xe: {  	p0 =	sne.s32 s9, $0xF;
	s9 =	simm.s32 $0x2;
	s7 =	sadd.s32 s23, s7  }
0xf: {  	s8 =	sadd.s32 s6, s8;
	s4 =	ssub.s32 s4, s10;
	s6 =	sadd.s32 $0x200, s1  }
0x10: {  	s10 =	simm.s32 $0xB100;
	s7 =	sshrl.u32 s7, $0x3;
	s8 =	sshrl.u32 s8, $0x3  }
0x11: {  	s7 =	sadd.s32 s0, s7;
	s24 =	sadd.s32 s2, s8;
	s0 =	sadd.s32 s0, s5  }
0x12: {  	s2 =	sadd.s32 s2, s25;
	s5 =	sadd.s32 $0x100, s1;
	[dreg:$0x4] =	wrdreg s7  }
0x13: {  	s8 =	smax.u32 s4, $0x1;
	[dreg:$0x8] =	wrdreg s24;
	s7 =	sadd.s32 $0x2000, s24  }
0x14: {  	v2 =	vlaneseq.u32;
	s25 =	simm.s32 $0x2900;
	s0 =	sadd.s32 $0x100, s0;
	[dreg:$0x5] =	wrdreg s7  }
0x15: {  	vm0 =	vmmov $0xffff;
	v1 =	vshrl.u32 v2, $0x3;
	v0 =	vand.u32 $0x7, v2;
	s4 =	simm.s32 $0x6900;
	s26 =	sadd.s32 $0x40000, s2;
	[dreg:$0x6] =	wrdreg s0  }
0x16: {  	v2 =	vor.u32 $0x8, v2;
	v1 =	vmul.u32 $0x8, v1;
	vm1 =	vmmov @!p0 $0xff;
	s7 =	sadd.s32 $0x300, s1;
	[dreg:$0x7] =	wrdreg s26;
	s26 =	simm.s32 $0x3100  }
.LBB2_1:
0x17: {  	s20 =	rddreg [dreg:$0x4]  }
0x18: {  	[tilespmem:s3], [sflag:$0x2] =	stream.linear.gather [hbm4b:s20+s3], $0x80, $0x38;
	[tilespmem:$0x10500] =	vst v63  }
0x19: {  	_ =	swait.ge [sflag:s9], $0x80  }
0x1a: {  	[sflag:s9] =	ssyncset.done $0x0  }
0x1b: {  	[sflag:s9] =	ssyncadd.s32 $0xFFFFFF80  }
0x1c: {  	v3 =	vld [tilespmem:$0x0];
	_ =	sdelay $0x4  }
0x1d: {  	v4 =	vshll.u32 v3, $0x3  }
0x1e: {  	v3 =	vand.u32 $0x7, v3;
	v4 =	vand.u32 $0xFFFFFFC0, v4  }
0x1f: {  	v3 =	vor.u32 v3, v4  }
0x20: {  	v4 =	vperm.xlane v3, v0;
	_ =	sdelay $0x1  }
0x21: {  	v4 =	vadd.s32 v1, v4;
	_ =	sdelay $0x4  }
0x22: {  	[tilespmem:s19], [sflag:$0x1] =	stream.indirect_vreg.gather [hbm4b:s1+s3], $0x80, v4, vm0, $0xb8;
	[tilespmem:$0x10500] =	vst v63  }
0x23: {  	s21 =	simm.s32 $0x900;
	v3 =	vperm.xlane v3, v2  }
0x24: {  	[tilespmem:s21], [sflag:$0x1] =	stream.indirect_vreg.gather [hbm4b:s5+s3], $0x80, v4, vm0, $0xb8;
	[tilespmem:$0x10500] =	vst v63  }
0x25: {  	s22 =	simm.s32 $0x1100;
	v3 =	vadd.s32 v1, v3  }
0x26: {  	[tilespmem:s22], [sflag:$0x1] =	stream.indirect_vreg.gather [hbm4b:s6+s3], $0x80, v4, vm0, $0xb8;
	[tilespmem:$0x10500] =	vst v63  }
0x27: {  	s23 =	simm.s32 $0x1900  }
0x28: {  	[tilespmem:s23], [sflag:$0x1] =	stream.indirect_vreg.gather [hbm4b:s7+s3], $0x80, v4, vm0, $0xb8;
	[tilespmem:$0x10500] =	vst v63  }
0x29: {  	s24 =	simm.s32 $0x2100  }
0x2a: {  	[tilespmem:s24], [sflag:$0x1] =	stream.indirect_vreg.gather [hbm4b:s1+s3], $0x80, v3, vm0, $0xb8;
	[tilespmem:$0x10500] =	vst v63  }
0x2b: {  	_ = 	snop  }
0x2c: {  	[tilespmem:s25], [sflag:$0x1] =	stream.indirect_vreg.gather [hbm4b:s5+s3], $0x80, v3, vm0, $0xb8;
	[tilespmem:$0x10500] =	vst v63  }
0x2d: {  	_ = 	snop  }
0x2e: {  	[tilespmem:s26], [sflag:$0x1] =	stream.indirect_vreg.gather [hbm4b:s6+s3], $0x80, v3, vm0, $0xb8;
	[tilespmem:$0x10500] =	vst v63  }
0x2f: {  	_ = 	snop  }
0x30: {  	[tilespmem:s28], [sflag:$0x1] =	stream.indirect_vreg.gather [hbm4b:s7+s3], $0x80, v3, vm0, $0xb8;
	[tilespmem:$0x10500] =	vst v63  }
0x31: {  	v3 =	vld [tilespmem:$0x10];
	_ =	sdelay $0x4  }
0x32: {  	v57 =	vshll.u32 v3, $0x3  }
0x33: {  	v3 =	vand.u32 $0x7, v3;
	v4 =	vand.u32 $0xFFFFFFC0, v57  }
0x34: {  	v3 =	vor.u32 v3, v4  }
0x35: {  	v4 =	vperm.xlane v3, v0;
	_ =	sdelay $0x1  }
0x36: {  	v4 =	vadd.s32 v1, v4;
	_ =	sdelay $0x4  }
0x37: {  	[tilespmem:s29], [sflag:$0x1] =	stream.indirect_vreg.gather [hbm4b:s1+s3], $0x80, v4, vm0, $0xb8;
	[tilespmem:$0x10500] =	vst v63  }
0x38: {  	v3 =	vperm.xlane v3, v2  }
0x39: {  	[tilespmem:s30], [sflag:$0x1] =	stream.indirect_vreg.gather [hbm4b:s5+s3], $0x80, v4, vm0, $0xb8;
	[tilespmem:$0x10500] =	vst v63  }
0x3a: {  	v3 =	vadd.s32 v1, v3  }
0x3b: {  	[tilespmem:s31], [sflag:$0x1] =	stream.indirect_vreg.gather [hbm4b:s6+s3], $0x80, v4, vm0, $0xb8;
	[tilespmem:$0x10500] =	vst v63  }
0x3c: {  	s0 =	simm.s32 $0x5900  }
0x3d: {  	[tilespmem:s0], [sflag:$0x1] =	stream.indirect_vreg.gather [hbm4b:s7+s3], $0x80, v4, vm0, $0xb8;
	[tilespmem:$0x10500] =	vst v63  }
0x3e: {  	s2 =	simm.s32 $0x6100  }
0x3f: {  	[tilespmem:s2], [sflag:$0x1] =	stream.indirect_vreg.gather [hbm4b:s1+s3], $0x80, v3, vm0, $0xb8;
	[tilespmem:$0x10500] =	vst v63  }
0x40: {  	_ = 	snop  }
0x41: {  	[tilespmem:s4], [sflag:$0x1] =	stream.indirect_vreg.gather [hbm4b:s5+s3], $0x80, v3, vm0, $0xb8;
	[tilespmem:$0x10500] =	vst v63  }
0x42: {  	_ = 	snop  }
0x43: {  	[tilespmem:s11], [sflag:$0x1] =	stream.indirect_vreg.gather [hbm4b:s6+s3], $0x80, v3, vm0, $0xb8;
	[tilespmem:$0x10500] =	vst v63  }
0x44: {  	_ = 	snop  }
0x45: {  	[tilespmem:s12], [sflag:$0x1] =	stream.indirect_vreg.gather [hbm4b:s7+s3], $0x80, v3, vm0, $0xb8;
	[tilespmem:$0x10500] =	vst v63  }
0x46: {  	v3 =	vld [tilespmem:$0x20];
	_ =	sdelay $0x4  }
0x47: {  	v58 =	vshll.u32 v3, $0x3  }
0x48: {  	v3 =	vand.u32 $0x7, v3;
	v4 =	vand.u32 $0xFFFFFFC0, v58  }
0x49: {  	v3 =	vor.u32 v3, v4  }
0x4a: {  	v4 =	vperm.xlane v3, v0;
	_ =	sdelay $0x1  }
0x4b: {  	v4 =	vadd.s32 v1, v4;
	_ =	sdelay $0x4  }
0x4c: {  	[tilespmem:s13], [sflag:$0x1] =	stream.indirect_vreg.gather [hbm4b:s1+s3], $0x80, v4, vm0, $0xb8;
	[tilespmem:$0x10500] =	vst v63  }
0x4d: {  	v3 =	vperm.xlane v3, v2  }
0x4e: {  	[tilespmem:s14], [sflag:$0x1] =	stream.indirect_vreg.gather [hbm4b:s5+s3], $0x80, v4, vm0, $0xb8;
	[tilespmem:$0x10500] =	vst v63  }
0x4f: {  	v3 =	vadd.s32 v1, v3  }
0x50: {  	[tilespmem:s15], [sflag:$0x1] =	stream.indirect_vreg.gather [hbm4b:s6+s3], $0x80, v4, vm0, $0xb8;
	[tilespmem:$0x10500] =	vst v63  }
0x51: {  	_ = 	snop  }
0x52: {  	[tilespmem:s16], [sflag:$0x1] =	stream.indirect_vreg.gather [hbm4b:s7+s3], $0x80, v4, vm0, $0xb8;
	[tilespmem:$0x10500] =	vst v63  }
0x53: {  	_ = 	snop  }
0x54: {  	[tilespmem:s17], [sflag:$0x1] =	stream.indirect_vreg.gather [hbm4b:s1+s3], $0x80, v3, vm0, $0xb8;
	[tilespmem:$0x10500] =	vst v63  }
0x55: {  	_ = 	snop  }
0x56: {  	[tilespmem:s18], [sflag:$0x1] =	stream.indirect_vreg.gather [hbm4b:s5+s3], $0x80, v3, vm0, $0xb8;
	[tilespmem:$0x10500] =	vst v63  }
0x57: {  	_ = 	snop  }
0x58: {  	[tilespmem:s10], [sflag:$0x1] =	stream.indirect_vreg.gather [hbm4b:s6+s3], $0x80, v3, vm0, $0xb8;
	[tilespmem:$0x10500] =	vst v63  }
0x59: {  	s20 =	simm.s32 $0xB900  }
0x5a: {  	[tilespmem:s20], [sflag:$0x1] =	stream.indirect_vreg.gather [hbm4b:s7+s3], $0x80, v3, vm0, $0xb8;
	[tilespmem:$0x10500] =	vst v63  }
0x5b: {  	v3 =	vld [tilespmem:$0x30];
	_ =	sdelay $0x4  }
0x5c: {  	v59 =	vshll.u32 v3, $0x3  }
0x5d: {  	v3 =	vand.u32 $0x7, v3;
	v4 =	vand.u32 $0xFFFFFFC0, v59  }
0x5e: {  	v3 =	vor.u32 v3, v4  }
0x5f: {  	v4 =	vperm.xlane v3, v0;
	_ =	sdelay $0x1  }
0x60: {  	v4 =	vadd.s32 v1, v4;
	_ =	sdelay $0x3  }
0x61: {  	s20 =	simm.s32 $0xC100  }
0x62: {  	[tilespmem:s20], [sflag:$0x1] =	stream.indirect_vreg.gather [hbm4b:s1+s3], $0x80, v4, vm0, $0xb8;
	[tilespmem:$0x10500] =	vst v63  }
0x63: {  	v3 =	vperm.xlane v3, v2;
	s20 =	simm.s32 $0xC900  }
0x64: {  	[tilespmem:s20], [sflag:$0x1] =	stream.indirect_vreg.gather [hbm4b:s5+s3], $0x80, v4, vm0, $0xb8;
	[tilespmem:$0x10500] =	vst v63  }
0x65: {  	v3 =	vadd.s32 v1, v3;
	s20 =	simm.s32 $0xD100  }
0x66: {  	[tilespmem:s20], [sflag:$0x1] =	stream.indirect_vreg.gather [hbm4b:s6+s3], $0x80, v4, vm0, $0xb8;
	[tilespmem:$0x10500] =	vst v63  }
0x67: {  	s20 =	simm.s32 $0xD900  }
0x68: {  	[tilespmem:s20], [sflag:$0x1] =	stream.indirect_vreg.gather [hbm4b:s7+s3], $0x80, v4, vm0, $0xb8;
	[tilespmem:$0x10500] =	vst v63  }
0x69: {  	s20 =	simm.s32 $0xE100  }
0x6a: {  	[tilespmem:s20], [sflag:$0x1] =	stream.indirect_vreg.gather [hbm4b:s1+s3], $0x80, v3, vm0, $0xb8;
	[tilespmem:$0x10500] =	vst v63  }
0x6b: {  	s20 =	simm.s32 $0xE900  }
0x6c: {  	[tilespmem:s20], [sflag:$0x1] =	stream.indirect_vreg.gather [hbm4b:s5+s3], $0x80, v3, vm0, $0xb8;
	[tilespmem:$0x10500] =	vst v63  }
0x6d: {  	s20 =	simm.s32 $0xF100  }
0x6e: {  	[tilespmem:s20], [sflag:$0x1] =	stream.indirect_vreg.gather [hbm4b:s6+s3], $0x80, v3, vm0, $0xb8;
	[tilespmem:$0x10500] =	vst v63  }
0x6f: {  	s0 =	simm.s32 $0x1;
	s20 =	simm.s32 $0xF900  }
0x70: {  	[tilespmem:s20], [sflag:$0x1] =	stream.indirect_vreg.gather [hbm4b:s7+s3], $0x80, v3, vm0, $0xb8;
	[tilespmem:$0x10500] =	vst v63  }
0x71: {  	_ =	swait.ge [sflag:s0], $0x10000  }
0x72: {  	[sflag:s0] =	ssyncset.done $0x0  }
0x73: {  	s20 =	rddreg [dreg:$0x8];
	[sflag:s0] =	ssyncadd.s32 $0xFFFF0000  }
0x74: {  	[hbm4b:s20+s3] =	stream.linear.scatter [tilespmem:s19], [sflag:$0x2], $0x10000, $0x38;
	[tilespmem:$0x10500] =	vst v63  }
0x75: {  	_ =	swait.ge [sflag:s9], $0x10000  }
0x76: {  	[sflag:s9] =	ssyncset.done $0x0  }
0x77: {  	[sflag:s9] =	ssyncadd.s32 $0xFFFF0000  }
0x78: {  	v3 =	vld [tilespmem:$0x40];
	_ =	sdelay $0x4  }
0x79: {  	v60 =	vshll.u32 v3, $0x3  }
0x7a: {  	v3 =	vand.u32 $0x7, v3;
	v4 =	vand.u32 $0xFFFFFFC0, v60  }
0x7b: {  	v3 =	vor.u32 v3, v4  }
0x7c: {  	v4 =	vperm.xlane v3, v0;
	_ =	sdelay $0x1  }
0x7d: {  	v4 =	vadd.s32 v1, v4;
	_ =	sdelay $0x4  }
0x7e: {  	[tilespmem:s19], [sflag:$0x1] =	stream.indirect_vreg.gather [hbm4b:s1+s3], $0x80, v4, vm0, $0xb8;
	[tilespmem:$0x10500] =	vst v63  }
0x7f: {  	v3 =	vperm.xlane v3, v2  }
0x80: {  	[tilespmem:s21], [sflag:$0x1] =	stream.indirect_vreg.gather [hbm4b:s5+s3], $0x80, v4, vm0, $0xb8;
	[tilespmem:$0x10500] =	vst v63  }
0x81: {  	v3 =	vadd.s32 v1, v3  }
0x82: {  	[tilespmem:s22], [sflag:$0x1] =	stream.indirect_vreg.gather [hbm4b:s6+s3], $0x80, v4, vm0, $0xb8;
	[tilespmem:$0x10500] =	vst v63  }
0x83: {  	_ = 	snop  }
0x84: {  	[tilespmem:s23], [sflag:$0x1] =	stream.indirect_vreg.gather [hbm4b:s7+s3], $0x80, v4, vm0, $0xb8;
	[tilespmem:$0x10500] =	vst v63  }
0x85: {  	_ = 	snop  }
0x86: {  	[tilespmem:s24], [sflag:$0x1] =	stream.indirect_vreg.gather [hbm4b:s1+s3], $0x80, v3, vm0, $0xb8;
	[tilespmem:$0x10500] =	vst v63  }
0x87: {  	_ = 	snop  }
0x88: {  	[tilespmem:s25], [sflag:$0x1] =	stream.indirect_vreg.gather [hbm4b:s5+s3], $0x80, v3, vm0, $0xb8;
	[tilespmem:$0x10500] =	vst v63  }
0x89: {  	_ = 	snop  }
0x8a: {  	[tilespmem:s26], [sflag:$0x1] =	stream.indirect_vreg.gather [hbm4b:s6+s3], $0x80, v3, vm0, $0xb8;
	[tilespmem:$0x10500] =	vst v63  }
0x8b: {  	_ = 	snop  }
0x8c: {  	[tilespmem:s28], [sflag:$0x1] =	stream.indirect_vreg.gather [hbm4b:s7+s3], $0x80, v3, vm0, $0xb8;
	[tilespmem:$0x10500] =	vst v63  }
0x8d: {  	v3 =	vld [tilespmem:$0x50];
	_ =	sdelay $0x4  }
0x8e: {  	v61 =	vshll.u32 v3, $0x3  }
0x8f: {  	v3 =	vand.u32 $0x7, v3;
	v4 =	vand.u32 $0xFFFFFFC0, v61  }
0x90: {  	v3 =	vor.u32 v3, v4  }
0x91: {  	v4 =	vperm.xlane v3, v0;
	_ =	sdelay $0x1  }
0x92: {  	v4 =	vadd.s32 v1, v4;
	_ =	sdelay $0x4  }
0x93: {  	[tilespmem:s29], [sflag:$0x1] =	stream.indirect_vreg.gather [hbm4b:s1+s3], $0x80, v4, vm0, $0xb8;
	[tilespmem:$0x10500] =	vst v63  }
0x94: {  	v3 =	vperm.xlane v3, v2  }
0x95: {  	[tilespmem:s30], [sflag:$0x1] =	stream.indirect_vreg.gather [hbm4b:s5+s3], $0x80, v4, vm0, $0xb8;
	[tilespmem:$0x10500] =	vst v63  }
0x96: {  	v3 =	vadd.s32 v1, v3  }
0x97: {  	[tilespmem:s31], [sflag:$0x1] =	stream.indirect_vreg.gather [hbm4b:s6+s3], $0x80, v4, vm0, $0xb8;
	[tilespmem:$0x10500] =	vst v63  }
0x98: {  	s24 =	simm.s32 $0x5900  }
0x99: {  	[tilespmem:s24], [sflag:$0x1] =	stream.indirect_vreg.gather [hbm4b:s7+s3], $0x80, v4, vm0, $0xb8;
	[tilespmem:$0x10500] =	vst v63  }
0x9a: {  	_ = 	snop  }
0x9b: {  	[tilespmem:s2], [sflag:$0x1] =	stream.indirect_vreg.gather [hbm4b:s1+s3], $0x80, v3, vm0, $0xb8;
	[tilespmem:$0x10500] =	vst v63  }
0x9c: {  	_ = 	snop  }
0x9d: {  	[tilespmem:s4], [sflag:$0x1] =	stream.indirect_vreg.gather [hbm4b:s5+s3], $0x80, v3, vm0, $0xb8;
	[tilespmem:$0x10500] =	vst v63  }
0x9e: {  	_ = 	snop  }
0x9f: {  	[tilespmem:s11], [sflag:$0x1] =	stream.indirect_vreg.gather [hbm4b:s6+s3], $0x80, v3, vm0, $0xb8;
	[tilespmem:$0x10500] =	vst v63  }
0xa0: {  	_ = 	snop  }
0xa1: {  	[tilespmem:s12], [sflag:$0x1] =	stream.indirect_vreg.gather [hbm4b:s7+s3], $0x80, v3, vm0, $0xb8;
	[tilespmem:$0x10500] =	vst v63  }
0xa2: {  	v3 =	vld [tilespmem:$0x60];
	_ =	sdelay $0x4  }
0xa3: {  	v62 =	vshll.u32 v3, $0x3  }
0xa4: {  	v3 =	vand.u32 $0x7, v3;
	v4 =	vand.u32 $0xFFFFFFC0, v62  }
0xa5: {  	v3 =	vor.u32 v3, v4  }
0xa6: {  	v4 =	vperm.xlane v3, v0;
	_ =	sdelay $0x1  }
0xa7: {  	v4 =	vadd.s32 v1, v4;
	_ =	sdelay $0x4  }
0xa8: {  	[tilespmem:s13], [sflag:$0x1] =	stream.indirect_vreg.gather [hbm4b:s1+s3], $0x80, v4, vm0, $0xb8;
	[tilespmem:$0x10500] =	vst v63  }
0xa9: {  	v3 =	vperm.xlane v3, v2  }
0xaa: {  	[tilespmem:s14], [sflag:$0x1] =	stream.indirect_vreg.gather [hbm4b:s5+s3], $0x80, v4, vm0, $0xb8;
	[tilespmem:$0x10500] =	vst v63  }
0xab: {  	v3 =	vadd.s32 v1, v3  }
0xac: {  	[tilespmem:s15], [sflag:$0x1] =	stream.indirect_vreg.gather [hbm4b:s6+s3], $0x80, v4, vm0, $0xb8;
	[tilespmem:$0x10500] =	vst v63  }
0xad: {  	_ = 	snop  }
0xae: {  	[tilespmem:s16], [sflag:$0x1] =	stream.indirect_vreg.gather [hbm4b:s7+s3], $0x80, v4, vm0, $0xb8;
	[tilespmem:$0x10500] =	vst v63  }
0xaf: {  	_ = 	snop  }
0xb0: {  	[tilespmem:s17], [sflag:$0x1] =	stream.indirect_vreg.gather [hbm4b:s1+s3], $0x80, v3, vm0, $0xb8;
	[tilespmem:$0x10500] =	vst v63  }
0xb1: {  	_ = 	snop  }
0xb2: {  	[tilespmem:s18], [sflag:$0x1] =	stream.indirect_vreg.gather [hbm4b:s5+s3], $0x80, v3, vm0, $0xb8;
	[tilespmem:$0x10500] =	vst v63  }
0xb3: {  	_ = 	snop  }
0xb4: {  	[tilespmem:s10], [sflag:$0x1] =	stream.indirect_vreg.gather [hbm4b:s6+s3], $0x80, v3, vm0, $0xb8;
	[tilespmem:$0x10500] =	vst v63  }
0xb5: {  	s20 =	simm.s32 $0xB900  }
0xb6: {  	[tilespmem:s20], [sflag:$0x1] =	stream.indirect_vreg.gather [hbm4b:s7+s3], $0x80, v3, vm0, $0xb8;
	[tilespmem:$0x10500] =	vst v63  }
0xb7: {  	v3 =	vld [tilespmem:$0x70];
	_ =	sdelay $0x4  }
0xb8: {  	v63 =	vshll.u32 v3, $0x3  }
0xb9: {  	v3 =	vand.u32 $0x7, v3;
	v4 =	vand.u32 $0xFFFFFFC0, v63  }
0xba: {  	v3 =	vor.u32 v3, v4  }
0xbb: {  	v4 =	vperm.xlane v3, v0;
	_ =	sdelay $0x1  }
0xbc: {  	v4 =	vadd.s32 v1, v4;
	_ =	sdelay $0x3  }
0xbd: {  	s21 =	simm.s32 $0xC100  }
0xbe: {  	[tilespmem:s21], [sflag:$0x1] =	stream.indirect_vreg.gather [hbm4b:s1+s3], $0x80, v4, vm0, $0xb8;
	[tilespmem:$0x10500] =	vst v63  }
0xbf: {  	s22 =	simm.s32 $0xC900;
	v3 =	vperm.xlane v3, v2  }
0xc0: {  	[tilespmem:s22], [sflag:$0x1] =	stream.indirect_vreg.gather [hbm4b:s5+s3], $0x80, v4, vm0, $0xb8;
	[tilespmem:$0x10500] =	vst v63  }
0xc1: {  	s23 =	simm.s32 $0xD100;
	v3 =	vadd.s32 v1, v3  }
0xc2: {  	[tilespmem:s23], [sflag:$0x1] =	stream.indirect_vreg.gather [hbm4b:s6+s3], $0x80, v4, vm0, $0xb8;
	[tilespmem:$0x10500] =	vst v63  }
0xc3: {  	s24 =	simm.s32 $0xD900  }
0xc4: {  	[tilespmem:s24], [sflag:$0x1] =	stream.indirect_vreg.gather [hbm4b:s7+s3], $0x80, v4, vm0, $0xb8;
	[tilespmem:$0x10500] =	vst v63  }
0xc5: {  	s20 =	simm.s32 $0xE100  }
0xc6: {  	[tilespmem:s20], [sflag:$0x1] =	stream.indirect_vreg.gather [hbm4b:s1+s3], $0x80, v3, vm0, $0xb8;
	[tilespmem:$0x10500] =	vst v63  }
0xc7: {  	s21 =	simm.s32 $0xE900  }
0xc8: {  	[tilespmem:s21], [sflag:$0x1] =	stream.indirect_vreg.gather [hbm4b:s5+s3], $0x80, v3, vm0, $0xb8;
	[tilespmem:$0x10500] =	vst v63  }
0xc9: {  	s22 =	simm.s32 $0xF100  }
0xca: {  	[tilespmem:s22], [sflag:$0x1] =	stream.indirect_vreg.gather [hbm4b:s6+s3], $0x80, v3, vm0, $0xb8;
	[tilespmem:$0x10500] =	vst v63  }
0xcb: {  	s23 =	simm.s32 $0xF900  }
0xcc: {  	[tilespmem:s23], [sflag:$0x1] =	stream.indirect_vreg.gather [hbm4b:s7+s3], $0x80, v3, vm0, $0xb8;
	[tilespmem:$0x10500] =	vst v63  }
0xcd: {  	_ =	swait.ge [sflag:s0], $0x10000  }
0xce: {  	[sflag:s0] =	ssyncset.done $0x0  }
0xcf: {  	s24 =	rddreg [dreg:$0x5];
	[sflag:s0] =	ssyncadd.s32 $0xFFFF0000  }
0xd0: {  	[hbm4b:s24+s3] =	stream.linear.scatter [tilespmem:s19], [sflag:$0x2], $0x10000, $0x38;
	[tilespmem:$0x10500] =	vst v63  }
0xd1: {  	_ =	swait.ge [sflag:s9], $0x10000  }
0xd2: {  	s21 =	simm.s32 @!p0 $0x0;
	[sflag:s9] =	ssyncset.done $0x0  }
0xd3: {  	s22 =	simm.s32 @!p0 $0x80;
	s20 =	rddreg [dreg:$0x6];
	[sflag:s9] =	ssyncadd.s32 $0xFFFF0000  }
0xd4: {  	[tilespmem:s22], [sflag:$0x2] =	stream.linear.gather @!p0 [hbm4b:s20+s21], $0x1, $0x38;
	[tilespmem:$0x10500] =	vst v63  }
0xd5: {  	s20 =	simm.s32 @!p0 $0x2  }
0xd6: {  	_ =	swait.ge @!p0 [sflag:s20], $0x1  }
0xd7: {  	[sflag:s20] =	ssyncset.done @!p0 $0x0  }
0xd8: {  	[sflag:s20] =	ssyncadd.s32 @!p0 $0xFFFFFFFF  }
0xd9: {  	v3 =	vld.msk @!p0 [tilespmem:$0x80], $0x1;
	_ =	sdelay $0x4  }
0xda: {  	v4 =	vshll.u32 @!p0 v3, $0x3  }
0xdb: {  	v3 =	vand.u32 @!p0 $0x7, v3;
	v4 =	vand.u32 @!p0 $0xFFFFFFC0, v4  }
0xdc: {  	v5 =	vlaneseq.u32 @!p0;
	v3 =	vor.u32 @!p0 v3, v4;
	v4 =	vimm.s32 @!p0 $0x0  }
0xdd: {  	v3 =	vperm.xlane @!p0 v3, v4;
	v4 =	vmul.u32 @!p0 $0x8, v5;
	_ =	sdelay $0x1  }
0xde: {  	v3 =	vadd.s32 @!p0 v4, v3;
	_ =	sdelay $0x3  }
0xdf: {  	s23 =	simm.s32 @!p0 $0x10100  }
0xe0: {  	[tilespmem:s23], [sflag:$0x1] =	stream.indirect_vreg.gather @!p0 [hbm4b:s1+s21], $0x80, v3, vm1, $0xb8;
	[tilespmem:$0x10500] =	vst v63  }
0xe1: {  	s21 =	simm.s32 @!p0 $0x1  }
0xe2: {  	s8 =	sadd.s32 $0xFFFFFFFF, s8;
	_ =	swait.ge @!p0 [sflag:s21], $0x400  }
0xe3: {  	p1 =	sne.s32 s8, $0x0;
	s24 =	rddreg [dreg:$0x7];
	[sflag:s21] =	ssyncset.done @!p0 $0x0  }
.Ltmp0:
0xe4: {  	[sflag:s21] =	ssyncadd.s32 @!p0 $0xFFFFFC00;
	s21 =	simm.s32 @!p0 $0x400;
	(pc) =	sbr.rel @p1 .LBB2_1-.Ltmp0, $4  }
0xe5: {  	[hbm4b:s24+s22] =	stream.strided.scatter @!p0 [tilespmem:s23], [sflag:$0x2], $0x400, s21, s22, $0x38;
	[tilespmem:$0x10500] =	vst v63  }
0xe6: {  	_ =	swait.ge @!p0 [sflag:s20], $0x400  }
0xe7: {  	[sflag:s20] =	ssyncset.done @!p0 $0x0  }
0xe8: {  	[sflag:s20] =	ssyncadd.s32 @!p0 $0xFFFFFC00  }
0xe9: {  	_ =	sfence.sel $0x180000  }
0xea: {  	[bflag:$0x0] =	sbarrier.arrive $0xFFFF  }
0xeb: {  	_ =	strace $0x90000047  }
0xec: {  	s0 =	stileid.u32;
	[bflag:$0x2] =	sbarrier.arrive $0xFFFF  }
0xed: {  	p0 =	sne.s32 s0, $0x0;
	s0 =	rddreg [dreg:$0x3]  }
0xee: {  	s0 =	sadd.s32 @!p0 $0x100000, s0  }
0xef: {  	[sflag:s0] =	ssyncadd.tile.s32 @!p0 $0x1;
	_ =	shalt  }
.Lfunc_end2:
_tile_overlayer_lowered:
.L_overlay_start_2:
0xf0: {  	(tag) =	ssettag $0x2  }
0xf1: {  	s0 =	rddreg [dreg:$0x0];
	s2 =	stileid.u32  }
0xf2: {  	s1 =	rddreg [dreg:$0x1];
	p0 =	sne.s32 s2, $0x0  }
0xf3: {  	s3 =	rddreg [dreg:$0x2];
	[bflag:$0x3] =	sbarrier.arrive $0xFFFF;
	s2 =	simm.s32 @!p0 $0x1C02  }
0xf4: {  	[timem:s3], [sflag:s2] =	dma.local @!p0 [hbm:s0], s1  }
0xf5: {  	s0 =	simm.s32 @!p0 $0x2  }
0xf6: {  	_ =	swait.ge @!p0 [sflag:s0], s1  }
0xf7: {  	s1 =	ssub.s32 @!p0 $0x0, s1;
	[sflag:s0] =	ssyncset.done @!p0 $0x0  }
0xf8: {  	[sflag:s0] =	ssyncadd.s32 @!p0 s1  }
0xf9: {  	[bflag:$0x3] =	sbarrier.arrive $0xFFFF  }
0xfa: {  	_ =	shalt  }

</sc_bundles>
